<compile_context>
chip_gen: v7x
topology: tpu7x:2x2x1
jax: 0.10.2.dev20260603
libtpu: 0.0.44.dev20260713+nightly
codegen_flags: <defaults>
</compile_context>

<pallas_src>
import functools

import jax
import jax.numpy as jnp
from jax import lax
from jax.experimental import pallas as pl
from jax.experimental.pallas import tpu as pltpu
from jax.experimental.pallas import tpu_sc as plsc

NC = 2
NS = 16
ZC = 448


def _make_sc_agg(feat, n_pad, chunk, n_win, split_edges, two_tables):
    mesh = plsc.VectorSubcoreMesh(core_axis_name="c", subcore_axis_name="s")
    zrows = n_pad // NS
    zsteps = zrows // ZC
    n_workers = NC * NS if split_edges else NS

    @functools.partial(
        pl.kernel,
        mesh=mesh,
        out_type=jax.ShapeDtypeStruct((NC * n_pad, feat), jnp.float32),
        compiler_params=pltpu.CompilerParams(use_tc_tiling_on_sc=False),
        scratch_types=[
            [pltpu.VMEM((chunk,), jnp.int32) for _ in range(2)],
            [pltpu.VMEM((chunk,), jnp.int32) for _ in range(2)],
            [pltpu.VMEM((chunk, feat), jnp.float32) for _ in range(2)],
            pltpu.VMEM((ZC, feat), jnp.float32),
            pltpu.VMEM_SHARED((n_pad, feat), jnp.float32),
            [pltpu.SemaphoreType.DMA for _ in range(2)],
            [pltpu.SemaphoreType.DMA for _ in range(2)],
            [pltpu.SemaphoreType.DMA for _ in range(2)],
        ],
    )
    def sc_agg(*args):
        if two_tables:
            (tab0_hbm, tab1_hbm, ei_hbm, z_hbm, out_hbm,
             sidx, didx, rows, stage, acc, sem_i, sem_g, sem_s) = args
        else:
            (tab0_hbm, ei_hbm, z_hbm, out_hbm,
             sidx, didx, rows, stage, acc, sem_i, sem_g, sem_s) = args
            tab1_hbm = tab0_hbm
        c = lax.axis_index("c")
        s = lax.axis_index("s")
        pltpu.sync_copy(z_hbm, stage)

        def zstep(i, carry):
            pltpu.sync_copy(stage, acc.at[pl.ds(s * zrows + i * ZC, ZC)])
            return carry

        lax.fori_loop(0, zsteps, zstep, 0)
        plsc.subcore_barrier()

        wid = c * NS + s if split_edges else s
        per = n_win // n_workers
        rem = n_win % n_workers
        base_w = wid * per + jnp.minimum(wid, rem)
        nw_t = per + jnp.where(wid < rem, 1, 0)

        e_len = n_win * chunk

        def fire_idx(p, w):
            ofs = (base_w + w) * chunk
            pltpu.async_copy(ei_hbm.at[pl.ds(ofs, chunk)], sidx[p],
                             sem_i[p])
            pltpu.async_copy(ei_hbm.at[pl.ds(e_len + ofs, chunk)], didx[p],
                             sem_i[p])

        def drain_idx(p):
            pltpu.make_async_copy(ei_hbm.at[pl.ds(0, chunk)], sidx[p],
                                  sem_i[p]).wait()
            pltpu.make_async_copy(ei_hbm.at[pl.ds(0, chunk)], didx[p],
                                  sem_i[p]).wait()

        def fire_gat(p):
            if two_tables:
                @pl.when(c == 0)
                def _():
                    pltpu.async_copy(tab0_hbm.at[sidx[p]], rows[p],
                                     sem_g[p])

                @pl.when(c == 1)
                def _():
                    pltpu.async_copy(tab1_hbm.at[sidx[p]], rows[p],
                                     sem_g[p])
            else:
                pltpu.async_copy(tab0_hbm.at[sidx[p]], rows[p], sem_g[p])

        def drain_gat(p):
            pltpu.make_async_copy(tab0_hbm.at[pl.ds(0, chunk)], rows[p],
                                  sem_g[p]).wait()

        def fire_sca(p):
            pltpu.async_copy(rows[p], acc.at[didx[p]], sem_s[p], add=True)

        def drain_sca(p):
            pltpu.make_async_copy(rows[p], acc.at[pl.ds(0, chunk)],
                                  sem_s[p]).wait()

        @pl.when(nw_t > 0)
        def _():
            fire_idx(0, 0)
            drain_idx(0)
            fire_gat(0)

        def body(i, carry):
            w1 = 2 * i + 1
            w2 = 2 * i + 2

            @pl.when(w1 < nw_t)
            def _():
                fire_idx(1, w1)

            drain_gat(0)
            fire_sca(0)

            @pl.when(w1 < nw_t)
            def _():
                drain_idx(1)
                fire_gat(1)

            @pl.when(w2 < nw_t)
            def _():
                fire_idx(0, w2)

            drain_sca(0)

            @pl.when(w1 < nw_t)
            def _():
                drain_gat(1)
                fire_sca(1)

            @pl.when(w2 < nw_t)
            def _():
                drain_idx(0)
                fire_gat(0)

            @pl.when(w1 < nw_t)
            def _():
                drain_sca(1)

            return carry

        lax.fori_loop(0, (nw_t + 1) // 2, body, 0)
        plsc.subcore_barrier()

        def wstep(i, carry):
            pltpu.sync_copy(acc.at[pl.ds(s * zrows + i * ZC, ZC)], stage)
            pltpu.sync_copy(
                stage,
                out_hbm.at[pl.ds(c * n_pad + s * zrows + i * ZC, ZC)])
            return carry

        lax.fori_loop(0, zsteps, wstep, 0)

    return sc_agg


def kernel(x, edge_index, W1, b1, W2, b2, W3, b3, W4, b4):
    n = x.shape[0]
    e = edge_index.shape[1]
    n_pad = -(-n // 2048) * 2048
    if n_pad == n:
        n_pad += 2048
    c1, c2 = 1024, 640

    ei = edge_index.astype(jnp.int32)
    e_align = 5120
    e_pad = -(-e // e_align) * e_align
    if e_pad != e:
        ar = jnp.arange(e_pad - e, dtype=jnp.int32)
        ei = jnp.concatenate(
            [ei, jnp.stack([ar % 1024, n + ar % (n_pad - n)])], axis=1)
    eif = ei.reshape(2 * e_pad)

    xp8 = jnp.pad(jnp.concatenate(
        [x, jnp.ones((n, 1), jnp.float32)], axis=1),
        ((0, n_pad - n), (0, 4)))
    w1p = jnp.pad(W1, ((0, 5), (0, 0)))

    sc1 = _make_sc_agg(8, n_pad, c1, e_pad // c1, True, False)
    s1 = sc1(xp8, eif,
             jnp.zeros((ZC * 8 // 128, 128), jnp.float32).reshape(ZC, 8))

    xpT = xp8.T
    s1T = s1.reshape(2, n_pad, 8).transpose(0, 2, 1)

    blk = 14336
    nb = n_pad // blk
    cdim = (((0,), (0,)), ((), ()))

    def tca_body(xpT_ref, s1a_ref, s1b_ref, w1_ref, b1_ref,
                 qloT_ref, qhiT_ref, qlo_ref, qhi_ref):
        hpT = xpT_ref[...] + s1a_ref[0] + s1b_ref[0]
        qT = jnp.maximum(
            lax.dot_general(w1_ref[...], hpT, cdim,
                            preferred_element_type=jnp.float32)
            + b1_ref[...], 0.0)
        qloT_ref[...] = qT[:16]
        qhiT_ref[...] = qT[16:]
        qlo_ref[...] = qT[:16].T
        qhi_ref[...] = qT[16:].T

    qloT, qhiT, qlo, qhi = pl.pallas_call(
        tca_body,
        grid=(nb,),
        in_specs=[
            pl.BlockSpec((8, blk), lambda i: (0, i)),
            pl.BlockSpec((1, 8, blk), lambda i: (0, 0, i)),
            pl.BlockSpec((1, 8, blk), lambda i: (1, 0, i)),
            pl.BlockSpec((8, 32), lambda i: (0, 0)),
            pl.BlockSpec((32, 1), lambda i: (0, 0)),
        ],
        out_specs=[
            pl.BlockSpec((16, blk), lambda i: (0, i)),
            pl.BlockSpec((16, blk), lambda i: (0, i)),
            pl.BlockSpec((blk, 16), lambda i: (i, 0)),
            pl.BlockSpec((blk, 16), lambda i: (i, 0)),
        ],
        out_shape=[
            jax.ShapeDtypeStruct((16, n_pad), jnp.float32),
            jax.ShapeDtypeStruct((16, n_pad), jnp.float32),
            jax.ShapeDtypeStruct((n_pad, 16), jnp.float32),
            jax.ShapeDtypeStruct((n_pad, 16), jnp.float32),
        ],
    )(xpT, s1T, s1T, w1p, b1.reshape(32, 1))

    sc2 = _make_sc_agg(16, n_pad, c2, e_pad // c2, False, True)
    s2 = sc2(qlo, qhi, eif,
             jnp.zeros((ZC * 16 // 128, 128), jnp.float32).reshape(ZC, 16))
    s2T = s2.reshape(2, n_pad, 16).transpose(0, 2, 1)

    def tcb_body(qloT_ref, qhiT_ref, s2a_ref, s2b_ref, s1a_ref, s1b_ref,
                 w2a_ref, b2_ref, w3_ref, b3_ref, w4_ref, b4_ref, o_ref):
        qlT = qloT_ref[...] + s2a_ref[0]
        qhT = qhiT_ref[...] + s2b_ref[0]
        degT = s1a_ref[0, 3:4] + s1b_ref[0, 3:4] + 1.0
        w2a = w2a_ref[...]
        gT = (lax.dot_general(w2a[0], qlT, cdim,
                              preferred_element_type=jnp.float32)
              + lax.dot_general(w2a[1], qhT, cdim,
                                preferred_element_type=jnp.float32)
              + b2_ref[...] * degT)
        rT = jnp.maximum(
            lax.dot_general(w3_ref[...], gT, cdim,
                            preferred_element_type=jnp.float32)
            + b3_ref[...], 0.0)
        o_ref[...] = (lax.dot_general(rT, w4_ref[...], cdim,
                                      preferred_element_type=jnp.float32)
                      + b4_ref[...])

    out = pl.pallas_call(
        tcb_body,
        grid=(nb,),
        in_specs=[
            pl.BlockSpec((16, blk), lambda i: (0, i)),
            pl.BlockSpec((16, blk), lambda i: (0, i)),
            pl.BlockSpec((1, 16, blk), lambda i: (0, 0, i)),
            pl.BlockSpec((1, 16, blk), lambda i: (1, 0, i)),
            pl.BlockSpec((1, 8, blk), lambda i: (0, 0, i)),
            pl.BlockSpec((1, 8, blk), lambda i: (1, 0, i)),
            pl.BlockSpec((2, 16, 64), lambda i: (0, 0, 0)),
            pl.BlockSpec((64, 1), lambda i: (0, 0)),
            pl.BlockSpec((64, 64), lambda i: (0, 0)),
            pl.BlockSpec((64, 1), lambda i: (0, 0)),
            pl.BlockSpec((64, 128), lambda i: (0, 0)),
            pl.BlockSpec((1, 128), lambda i: (0, 0)),
        ],
        out_specs=pl.BlockSpec((blk, 128), lambda i: (i, 0)),
        out_shape=jax.ShapeDtypeStruct((n, 128), jnp.float32),
    )(qloT, qhiT, s2T, s2T, s1T, s1T,
      W2.reshape(2, 16, 64), b2.reshape(64, 1), W3, b3.reshape(64, 1),
      W4, b4.reshape(1, 128))

    return out

# --- scband reference (transcript-rebuilt; emitter-appended) ---
"""Pipeline reference for scband-gnn-69131793596457 (READ-ONLY COPY).

The authoritative reference and input builder live on the scoring server;
editing this copy changes nothing except your own understanding.
"""

import jax, jax.numpy as jnp
import numpy as np

N_NODES = 100000
N_EDGES = 3200000


def setup_inputs(seed: int = 0) -> dict:
    key = jax.random.key(seed)
    ks = jax.random.split(key, 10)
    x = jax.random.normal(ks[0], (N_NODES, 3), dtype=jnp.float32)
    edge_index = jax.random.randint(ks[1], (2, N_EDGES), 0, N_NODES, dtype=jnp.int64)
    # GINConv 1 MLP: Linear(3,32) -> ReLU -> Linear(32,64)
    W1 = jax.random.normal(ks[2], (3, 32), dtype=jnp.float32) * (1.0 / np.sqrt(3))
    b1 = jnp.zeros((32,), dtype=jnp.float32)
    W2 = jax.random.normal(ks[3], (32, 64), dtype=jnp.float32) * (1.0 / np.sqrt(32))
    b2 = jnp.zeros((64,), dtype=jnp.float32)
    # GINConv 2 MLP: Linear(64,64) -> ReLU -> Linear(64,128)
    W3 = jax.random.normal(ks[4], (64, 64), dtype=jnp.float32) * (1.0 / np.sqrt(64))
    b3 = jnp.zeros((64,), dtype=jnp.float32)
    W4 = jax.random.normal(ks[5], (64, 128), dtype=jnp.float32) * (1.0 / np.sqrt(64))
    b4 = jnp.zeros((128,), dtype=jnp.float32)
    return {"x": x, "edge_index": edge_index, "W1": W1, "b1": b1, "W2": W2, "b2": b2, "W3": W3, "b3": b3, "W4": W4, "b4": b4}


def _gin_conv(x, edge_index, Wa, ba, Wb, bb):
    # PyG GINConv with eps=0 (default, not trainable):
    # out = MLP((1 + eps) * x_i + sum_{j in N(i)} x_j)
    src = edge_index[0]
    dst = edge_index[1]
    msgs = jnp.take(x, src, axis=0)
    agg = jax.ops.segment_sum(msgs, dst, num_segments=x.shape[0])
    h = x + agg
    h = jnp.maximum(jnp.dot(h, Wa) + ba, 0.0)
    h = jnp.dot(h, Wb) + bb
    return h


def reference(x, edge_index, W1, b1, W2, b2, W3, b3, W4, b4):
    h = _gin_conv(x, edge_index, W1, b1, W2, b2)
    h = _gin_conv(h, edge_index, W3, b3, W4, b4)
    return h

if __name__ == "__main__":
    import jax
    _d = setup_inputs()
    print(jax.jit(kernel)(*tuple(_d.values())))

</pallas_src>

<mosaic_0001>
#map = affine_map<(d0, d1) -> (0, 0)>
#map1 = affine_map<(d0, d1) -> (0)>
module attributes {stable_mosaic.version = 14 : i64} {
  func.func @sc_agg(%arg0: i32, %arg1: i32, %arg2: memref<100352x16xf32, #tpu.memory_space<hbm>>, %arg3: memref<100352x16xf32, #tpu.memory_space<hbm>>, %arg4: memref<6400000xi32, #tpu.memory_space<hbm>>, %arg5: memref<448x16xf32, #tpu.memory_space<hbm>>, %arg6: memref<200704x16xf32, #tpu.memory_space<hbm>>, %arg7: memref<640xi32, #tpu.memory_space<vmem>>, %arg8: memref<640xi32, #tpu.memory_space<vmem>>, %arg9: memref<640xi32, #tpu.memory_space<vmem>>, %arg10: memref<640xi32, #tpu.memory_space<vmem>>, %arg11: memref<640x16xf32, #tpu.memory_space<vmem>>, %arg12: memref<640x16xf32, #tpu.memory_space<vmem>>, %arg13: memref<448x16xf32, #tpu.memory_space<vmem>>, %arg14: memref<100352x16xf32, #tpu.memory_space<vmem_shared>>, %arg15: memref<!tpu.dma_semaphore, #tpu.memory_space<semaphore_mem>>, %arg16: memref<!tpu.dma_semaphore, #tpu.memory_space<semaphore_mem>>, %arg17: memref<!tpu.dma_semaphore, #tpu.memory_space<semaphore_mem>>, %arg18: memref<!tpu.dma_semaphore, #tpu.memory_space<semaphore_mem>>, %arg19: memref<!tpu.dma_semaphore, #tpu.memory_space<semaphore_mem>>, %arg20: memref<!tpu.dma_semaphore, #tpu.memory_space<semaphore_mem>>) attributes {dimension_semantics = [#tpu.dimension_semantics<core_parallel>, #tpu.dimension_semantics<subcore_parallel>], iteration_bounds = array<i64: 2, 16>, scalar_prefetch = 0 : i64, scratch_operands = 14 : i64, tpu.core_type = #tpu.core_type<sc_vector_subcore>, window_params = [{transform_indices = #map}, {transform_indices = #map}, {transform_indices = #map1}, {transform_indices = #map}, {transform_indices = #map}]} {
    "tpu.region"() ({
      %run_scoped3A = tpu.sem_alloc : memref<!tpu.dma_semaphore, #tpu.memory_space<semaphore_mem>>
      tpu.enqueue_dma source(%arg5 : memref<448x16xf32, #tpu.memory_space<hbm>>) target(%arg13 : memref<448x16xf32, #tpu.memory_space<vmem>>) target_semaphore(%run_scoped3A : memref<!tpu.dma_semaphore, #tpu.memory_space<semaphore_mem>>)
      tpu.wait_dma2 semaphore(%run_scoped3A : memref<!tpu.dma_semaphore, #tpu.memory_space<semaphore_mem>>) src(%arg5 : memref<448x16xf32, #tpu.memory_space<hbm>>) dst(%arg13 : memref<448x16xf32, #tpu.memory_space<vmem>>)
      tpu.yield
    }) : () -> ()
    %scan3A = arith.constant 0 : i32
    %scan3A_0 = arith.constant 0 : i32
    %scan3A_1 = arith.constant 14 : i32
    %scan3A_2 = arith.addi %scan3A_0, %scan3A_1 : i32
    %scan3A_3 = arith.constant 1 : i32
    scf.for %scan3A_49 = %scan3A_0 to %scan3A_2 step %scan3A_3  : i32 {
      %mul3A_50 = arith.constant 6272 : i32
      %mul3A_51 = arith.muli %arg1, %mul3A_50 : i32
      %mul3A_52 = arith.constant 448 : i32
      %mul3A_53 = arith.muli %scan3A_49, %mul3A_52 : i32
      %add3A_54 = arith.addi %mul3A_51, %mul3A_53 : i32
      "tpu.region"() ({
        %run_scoped3A = tpu.sem_alloc : memref<!tpu.dma_semaphore, #tpu.memory_space<semaphore_mem>>
        %dma_start3A = arith.constant 0 : i32
        %dma_start3A_55 = tpu.memref_slice %arg14[%add3A_54, %dma_start3A] : memref<100352x16xf32, #tpu.memory_space<vmem_shared>> -> memref<448x16xf32, #tpu.memory_space<vmem_shared>>
        %dma_start3A_56 = arith.constant 0 : i32
        %dma_start3A_57 = tpu.memref_slice %arg14[%add3A_54, %dma_start3A_56] : memref<100352x16xf32, #tpu.memory_space<vmem_shared>> -> memref<448x16xf32, #tpu.memory_space<vmem_shared>>
        tpu.enqueue_dma source(%arg13 : memref<448x16xf32, #tpu.memory_space<vmem>>) target(%dma_start3A_57 : memref<448x16xf32, #tpu.memory_space<vmem_shared>>) target_semaphore(%run_scoped3A : memref<!tpu.dma_semaphore, #tpu.memory_space<semaphore_mem>>)
        %dma_wait3A = arith.constant 0 : i32
        %dma_wait3A_58 = tpu.memref_slice %arg14[%add3A_54, %dma_wait3A] : memref<100352x16xf32, #tpu.memory_space<vmem_shared>> -> memref<448x16xf32, #tpu.memory_space<vmem_shared>>
        %dma_wait3A_59 = arith.constant 0 : i32
        %dma_wait3A_60 = tpu.memref_slice %arg14[%add3A_54, %dma_wait3A_59] : memref<100352x16xf32, #tpu.memory_space<vmem_shared>> -> memref<448x16xf32, #tpu.memory_space<vmem_shared>>
        tpu.wait_dma2 semaphore(%run_scoped3A : memref<!tpu.dma_semaphore, #tpu.memory_space<semaphore_mem>>) src(%arg13 : memref<448x16xf32, #tpu.memory_space<vmem>>) dst(%dma_wait3A_60 : memref<448x16xf32, #tpu.memory_space<vmem_shared>>)
        tpu.yield
      }) : () -> ()
    }
    %scan3A_4 = arith.constant 14 : i32
    %barrier3A = arith.constant 0 : index
    tpu.barrier barrier_id(%barrier3A)
    %mul3A = arith.constant 312 : i32
    %mul3A_5 = arith.muli %arg1, %mul3A : i32
    %min3A = arith.constant 8 : i32
    %min3A_6 = arith.minsi %arg1, %min3A : i32
    %add3A = arith.addi %mul3A_5, %min3A_6 : i32
    %lt3A = arith.constant 8 : i32
    %lt3A_7 = arith.cmpi slt, %arg1, %lt3A : i32
    %jit3A = arith.constant 1 : i32
    %jit3A_8 = arith.constant 0 : i32
    %select_n3A = arith.select %lt3A_7, %jit3A, %jit3A_8 : i32
    %add3A_9 = arith.constant 312 : i32
    %add3A_10 = arith.addi %add3A_9, %select_n3A : i32
    %gt3A = arith.constant 0 : i32
    %gt3A_11 = arith.cmpi sgt, %add3A_10, %gt3A : i32
    %convert_element_type3A = arith.extui %gt3A_11 : i1 to i32
    %cond3A = arith.constant 0 : i32
    %cond3A_12 = arith.cmpi ne, %convert_element_type3A, %cond3A : i32
    scf.if %cond3A_12 {
      %add3A_49 = arith.constant 0 : i32
      %add3A_50 = arith.addi %add3A, %add3A_49 : i32
      %mul3A_51 = arith.constant 640 : i32
      %mul3A_52 = arith.muli %add3A_50, %mul3A_51 : i32
      %dma_start3A = tpu.memref_slice %arg4[%mul3A_52] : memref<6400000xi32, #tpu.memory_space<hbm>> -> memref<640xi32, #tpu.memory_space<hbm>>
      %dma_start3A_53 = tpu.memref_slice %arg4[%mul3A_52] : memref<6400000xi32, #tpu.memory_space<hbm>> -> memref<640xi32, #tpu.memory_space<hbm>>
      tpu.enqueue_dma source(%dma_start3A_53 : memref<640xi32, #tpu.memory_space<hbm>>) target(%arg7 : memref<640xi32, #tpu.memory_space<vmem>>) target_semaphore(%arg15 : memref<!tpu.dma_semaphore, #tpu.memory_space<semaphore_mem>>)
      %add3A_54 = arith.constant 3200000 : i32
      %add3A_55 = arith.addi %add3A_54, %mul3A_52 : i32
      %dma_start3A_56 = tpu.memref_slice %arg4[%add3A_55] : memref<6400000xi32, #tpu.memory_space<hbm>> -> memref<640xi32, #tpu.memory_space<hbm>>
      %dma_start3A_57 = tpu.memref_slice %arg4[%add3A_55] : memref<6400000xi32, #tpu.memory_space<hbm>> -> memref<640xi32, #tpu.memory_space<hbm>>
      tpu.enqueue_dma source(%dma_start3A_57 : memref<640xi32, #tpu.memory_space<hbm>>) target(%arg9 : memref<640xi32, #tpu.memory_space<vmem>>) target_semaphore(%arg15 : memref<!tpu.dma_semaphore, #tpu.memory_space<semaphore_mem>>)
      %dma_wait3A = arith.constant 0 : i32
      %dma_wait3A_58 = tpu.memref_slice %arg4[%dma_wait3A] : memref<6400000xi32, #tpu.memory_space<hbm>> -> memref<640xi32, #tpu.memory_space<hbm>>
      %dma_wait3A_59 = arith.constant 0 : i32
      %dma_wait3A_60 = tpu.memref_slice %arg4[%dma_wait3A_59] : memref<6400000xi32, #tpu.memory_space<hbm>> -> memref<640xi32, #tpu.memory_space<hbm>>
      tpu.wait_dma2 semaphore(%arg15 : memref<!tpu.dma_semaphore, #tpu.memory_space<semaphore_mem>>) src(%dma_wait3A_60 : memref<640xi32, #tpu.memory_space<hbm>>) dst(%arg7 : memref<640xi32, #tpu.memory_space<vmem>>)
      %dma_wait3A_61 = arith.constant 0 : i32
      %dma_wait3A_62 = tpu.memref_slice %arg4[%dma_wait3A_61] : memref<6400000xi32, #tpu.memory_space<hbm>> -> memref<640xi32, #tpu.memory_space<hbm>>
      %dma_wait3A_63 = arith.constant 0 : i32
      %dma_wait3A_64 = tpu.memref_slice %arg4[%dma_wait3A_63] : memref<6400000xi32, #tpu.memory_space<hbm>> -> memref<640xi32, #tpu.memory_space<hbm>>
      tpu.wait_dma2 semaphore(%arg15 : memref<!tpu.dma_semaphore, #tpu.memory_space<semaphore_mem>>) src(%dma_wait3A_64 : memref<640xi32, #tpu.memory_space<hbm>>) dst(%arg9 : memref<640xi32, #tpu.memory_space<vmem>>)
      %eq3A = arith.constant 0 : i32
      %eq3A_65 = arith.cmpi eq, %arg0, %eq3A : i32
      %convert_element_type3A_66 = arith.extui %eq3A_65 : i1 to i32
      %cond3A_67 = arith.constant 0 : i32
      %cond3A_68 = arith.cmpi ne, %convert_element_type3A_66, %cond3A_67 : i32
      scf.if %cond3A_68 {
        %dma_start3A_74 = arith.constant 0 : i32
        %dma_start3A_75 = arith.constant 0 : i32
        %dma_start3A_76 = tpu.memref_slice %arg2[%dma_start3A_74, %dma_start3A_75] : memref<100352x16xf32, #tpu.memory_space<hbm>> -> memref<100352x16xf32, #tpu.memory_space<hbm>>
        tpu.enqueue_indirect_dma source(%dma_start3A_76 : memref<100352x16xf32, #tpu.memory_space<hbm>>) target(%arg11 : memref<640x16xf32, #tpu.memory_space<vmem>>) offsets(%arg7 : memref<640xi32, #tpu.memory_space<vmem>>) semaphore(%arg17 : memref<!tpu.dma_semaphore, #tpu.memory_space<semaphore_mem>>)
      } else {
      }
      %eq3A_69 = arith.constant 1 : i32
      %eq3A_70 = arith.cmpi eq, %arg0, %eq3A_69 : i32
      %convert_element_type3A_71 = arith.extui %eq3A_70 : i1 to i32
      %cond3A_72 = arith.constant 0 : i32
      %cond3A_73 = arith.cmpi ne, %convert_element_type3A_71, %cond3A_72 : i32
      scf.if %cond3A_73 {
        %dma_start3A_74 = arith.constant 0 : i32
        %dma_start3A_75 = arith.constant 0 : i32
        %dma_start3A_76 = tpu.memref_slice %arg3[%dma_start3A_74, %dma_start3A_75] : memref<100352x16xf32, #tpu.memory_space<hbm>> -> memref<100352x16xf32, #tpu.memory_space<hbm>>
        tpu.enqueue_indirect_dma source(%dma_start3A_76 : memref<100352x16xf32, #tpu.memory_space<hbm>>) target(%arg11 : memref<640x16xf32, #tpu.memory_space<vmem>>) offsets(%arg7 : memref<640xi32, #tpu.memory_space<vmem>>) semaphore(%arg17 : memref<!tpu.dma_semaphore, #tpu.memory_space<semaphore_mem>>)
      } else {
      }
    } else {
    }
    %add3A_13 = arith.constant 1 : i32
    %add3A_14 = arith.addi %add3A_10, %add3A_13 : i32
    %jit3A_15 = arith.constant 2 : i32
    %div3A = arith.divsi %add3A_14, %jit3A_15 : i32
    %sign3A = arith.constant 0 : i32
    %sign3A_16 = arith.cmpi sgt, %add3A_14, %sign3A : i32
    %sign3A_17 = arith.extui %sign3A_16 : i1 to i32
    %sign3A_18 = arith.constant 0 : i32
    %sign3A_19 = arith.cmpi slt, %add3A_14, %sign3A_18 : i32
    %sign3A_20 = arith.extui %sign3A_19 : i1 to i32
    %sign3A_21 = arith.subi %sign3A_17, %sign3A_20 : i32
    %sign3A_22 = arith.constant 0 : i32
    %sign3A_23 = arith.cmpi sgt, %jit3A_15, %sign3A_22 : i32
    %sign3A_24 = arith.extui %sign3A_23 : i1 to i32
    %sign3A_25 = arith.constant 0 : i32
    %sign3A_26 = arith.cmpi slt, %jit3A_15, %sign3A_25 : i32
    %sign3A_27 = arith.extui %sign3A_26 : i1 to i32
    %sign3A_28 = arith.subi %sign3A_24, %sign3A_27 : i32
    %ne3A = arith.cmpi ne, %sign3A_21, %sign3A_28 : i32
    %rem3A = arith.remsi %add3A_14, %jit3A_15 : i32
    %ne3A_29 = arith.constant 0 : i32
    %ne3A_30 = arith.cmpi ne, %rem3A, %ne3A_29 : i32
    %and3A = arith.andi %ne3A, %ne3A_30 : i1
    %sub3A = arith.constant 1 : i32
    %sub3A_31 = arith.subi %div3A, %sub3A : i32
    %select_n3A_32 = arith.select %and3A, %sub3A_31, %div3A : i32
    %while3A = arith.constant 0 : i32
    %while3A_33 = arith.constant 0 : i32
    %while3A_34 = arith.subi %select_n3A_32, %while3A_33 : i32
    %while3A_35 = arith.addi %while3A_33, %while3A_34 : i32
    %while3A_36 = arith.constant 1 : i32
    %while3A_37 = arith.divsi %while3A_34, %while3A_36 : i32
    %while3A_38 = arith.muli %while3A_37, %while3A_36 : i32
    %while3A_39 = arith.addi %while3A_33, %while3A_38 : i32
    %while3A_40 = arith.constant 1 : i32
    scf.for %while3A_49 = %while3A_33 to %while3A_39 step %while3A_40  : i32 {
      %mul3A_50 = arith.constant 2 : i32
      %mul3A_51 = arith.muli %mul3A_50, %while3A_49 : i32
      %add3A_52 = arith.constant 1 : i32
      %add3A_53 = arith.addi %mul3A_51, %add3A_52 : i32
      %mul3A_54 = arith.constant 2 : i32
      %mul3A_55 = arith.muli %mul3A_54, %while3A_49 : i32
      %add3A_56 = arith.constant 2 : i32
      %add3A_57 = arith.addi %mul3A_55, %add3A_56 : i32
      %lt3A_58 = arith.cmpi slt, %add3A_53, %add3A_10 : i32
      %convert_element_type3A_59 = arith.extui %lt3A_58 : i1 to i32
      %cond3A_60 = arith.constant 0 : i32
      %cond3A_61 = arith.cmpi ne, %convert_element_type3A_59, %cond3A_60 : i32
      scf.if %cond3A_61 {
        %add3A_95 = arith.addi %add3A, %add3A_53 : i32
        %mul3A_96 = arith.constant 640 : i32
        %mul3A_97 = arith.muli %add3A_95, %mul3A_96 : i32
        %dma_start3A_98 = tpu.memref_slice %arg4[%mul3A_97] : memref<6400000xi32, #tpu.memory_space<hbm>> -> memref<640xi32, #tpu.memory_space<hbm>>
        %dma_start3A_99 = tpu.memref_slice %arg4[%mul3A_97] : memref<6400000xi32, #tpu.memory_space<hbm>> -> memref<640xi32, #tpu.memory_space<hbm>>
        tpu.enqueue_dma source(%dma_start3A_99 : memref<640xi32, #tpu.memory_space<hbm>>) target(%arg8 : memref<640xi32, #tpu.memory_space<vmem>>) target_semaphore(%arg16 : memref<!tpu.dma_semaphore, #tpu.memory_space<semaphore_mem>>)
        %add3A_100 = arith.constant 3200000 : i32
        %add3A_101 = arith.addi %add3A_100, %mul3A_97 : i32
        %dma_start3A_102 = tpu.memref_slice %arg4[%add3A_101] : memref<6400000xi32, #tpu.memory_space<hbm>> -> memref<640xi32, #tpu.memory_space<hbm>>
        %dma_start3A_103 = tpu.memref_slice %arg4[%add3A_101] : memref<6400000xi32, #tpu.memory_space<hbm>> -> memref<640xi32, #tpu.memory_space<hbm>>
        tpu.enqueue_dma source(%dma_start3A_103 : memref<640xi32, #tpu.memory_space<hbm>>) target(%arg10 : memref<640xi32, #tpu.memory_space<vmem>>) target_semaphore(%arg16 : memref<!tpu.dma_semaphore, #tpu.memory_space<semaphore_mem>>)
      } else {
      }
      %dma_wait3A = arith.constant 0 : i32
      %dma_wait3A_62 = arith.constant 0 : i32
      %dma_wait3A_63 = tpu.memref_slice %arg2[%dma_wait3A, %dma_wait3A_62] : memref<100352x16xf32, #tpu.memory_space<hbm>> -> memref<640x16xf32, #tpu.memory_space<hbm>>
      %dma_wait3A_64 = arith.constant 0 : i32
      %dma_wait3A_65 = arith.constant 0 : i32
      %dma_wait3A_66 = tpu.memref_slice %arg2[%dma_wait3A_64, %dma_wait3A_65] : memref<100352x16xf32, #tpu.memory_space<hbm>> -> memref<640x16xf32, #tpu.memory_space<hbm>>
      tpu.wait_dma2 semaphore(%arg17 : memref<!tpu.dma_semaphore, #tpu.memory_space<semaphore_mem>>) src(%dma_wait3A_66 : memref<640x16xf32, #tpu.memory_space<hbm>>) dst(%arg11 : memref<640x16xf32, #tpu.memory_space<vmem>>)
      %dma_start3A = arith.constant 0 : i32
      %dma_start3A_67 = arith.constant 0 : i32
      %dma_start3A_68 = tpu.memref_slice %arg14[%dma_start3A, %dma_start3A_67] : memref<100352x16xf32, #tpu.memory_space<vmem_shared>> -> memref<100352x16xf32, #tpu.memory_space<vmem_shared>>
      tpu.enqueue_indirect_dma source(%arg11 : memref<640x16xf32, #tpu.memory_space<vmem>>) target(%dma_start3A_68 : memref<100352x16xf32, #tpu.memory_space<vmem_shared>>) offsets(%arg9 : memref<640xi32, #tpu.memory_space<vmem>>) semaphore(%arg19 : memref<!tpu.dma_semaphore, #tpu.memory_space<semaphore_mem>>) {add = true}
      %lt3A_69 = arith.cmpi slt, %add3A_53, %add3A_10 : i32
      %convert_element_type3A_70 = arith.extui %lt3A_69 : i1 to i32
      %cond3A_71 = arith.constant 0 : i32
      %cond3A_72 = arith.cmpi ne, %convert_element_type3A_70, %cond3A_71 : i32
      scf.if %cond3A_72 {
        %dma_wait3A_95 = arith.constant 0 : i32
        %dma_wait3A_96 = tpu.memref_slice %arg4[%dma_wait3A_95] : memref<6400000xi32, #tpu.memory_space<hbm>> -> memref<640xi32, #tpu.memory_space<hbm>>
        %dma_wait3A_97 = arith.constant 0 : i32
        %dma_wait3A_98 = tpu.memref_slice %arg4[%dma_wait3A_97] : memref<6400000xi32, #tpu.memory_space<hbm>> -> memref<640xi32, #tpu.memory_space<hbm>>
        tpu.wait_dma2 semaphore(%arg16 : memref<!tpu.dma_semaphore, #tpu.memory_space<semaphore_mem>>) src(%dma_wait3A_98 : memref<640xi32, #tpu.memory_space<hbm>>) dst(%arg8 : memref<640xi32, #tpu.memory_space<vmem>>)
        %dma_wait3A_99 = arith.constant 0 : i32
        %dma_wait3A_100 = tpu.memref_slice %arg4[%dma_wait3A_99] : memref<6400000xi32, #tpu.memory_space<hbm>> -> memref<640xi32, #tpu.memory_space<hbm>>
        %dma_wait3A_101 = arith.constant 0 : i32
        %dma_wait3A_102 = tpu.memref_slice %arg4[%dma_wait3A_101] : memref<6400000xi32, #tpu.memory_space<hbm>> -> memref<640xi32, #tpu.memory_space<hbm>>
        tpu.wait_dma2 semaphore(%arg16 : memref<!tpu.dma_semaphore, #tpu.memory_space<semaphore_mem>>) src(%dma_wait3A_102 : memref<640xi32, #tpu.memory_space<hbm>>) dst(%arg10 : memref<640xi32, #tpu.memory_space<vmem>>)
        %eq3A = arith.constant 0 : i32
        %eq3A_103 = arith.cmpi eq, %arg0, %eq3A : i32
        %convert_element_type3A_104 = arith.extui %eq3A_103 : i1 to i32
        %cond3A_105 = arith.constant 0 : i32
        %cond3A_106 = arith.cmpi ne, %convert_element_type3A_104, %cond3A_105 : i32
        scf.if %cond3A_106 {
          %dma_start3A_112 = arith.constant 0 : i32
          %dma_start3A_113 = arith.constant 0 : i32
          %dma_start3A_114 = tpu.memref_slice %arg2[%dma_start3A_112, %dma_start3A_113] : memref<100352x16xf32, #tpu.memory_space<hbm>> -> memref<100352x16xf32, #tpu.memory_space<hbm>>
          tpu.enqueue_indirect_dma source(%dma_start3A_114 : memref<100352x16xf32, #tpu.memory_space<hbm>>) target(%arg12 : memref<640x16xf32, #tpu.memory_space<vmem>>) offsets(%arg8 : memref<640xi32, #tpu.memory_space<vmem>>) semaphore(%arg18 : memref<!tpu.dma_semaphore, #tpu.memory_space<semaphore_mem>>)
        } else {
        }
        %eq3A_107 = arith.constant 1 : i32
        %eq3A_108 = arith.cmpi eq, %arg0, %eq3A_107 : i32
        %convert_element_type3A_109 = arith.extui %eq3A_108 : i1 to i32
        %cond3A_110 = arith.constant 0 : i32
        %cond3A_111 = arith.cmpi ne, %convert_element_type3A_109, %cond3A_110 : i32
        scf.if %cond3A_111 {
          %dma_start3A_112 = arith.constant 0 : i32
          %dma_start3A_113 = arith.constant 0 : i32
          %dma_start3A_114 = tpu.memref_slice %arg3[%dma_start3A_112, %dma_start3A_113] : memref<100352x16xf32, #tpu.memory_space<hbm>> -> memref<100352x16xf32, #tpu.memory_space<hbm>>
          tpu.enqueue_indirect_dma source(%dma_start3A_114 : memref<100352x16xf32, #tpu.memory_space<hbm>>) target(%arg12 : memref<640x16xf32, #tpu.memory_space<vmem>>) offsets(%arg8 : memref<640xi32, #tpu.memory_space<vmem>>) semaphore(%arg18 : memref<!tpu.dma_semaphore, #tpu.memory_space<semaphore_mem>>)
        } else {
        }
      } else {
      }
      %lt3A_73 = arith.cmpi slt, %add3A_57, %add3A_10 : i32
      %convert_element_type3A_74 = arith.extui %lt3A_73 : i1 to i32
      %cond3A_75 = arith.constant 0 : i32
      %cond3A_76 = arith.cmpi ne, %convert_element_type3A_74, %cond3A_75 : i32
      scf.if %cond3A_76 {
        %add3A_95 = arith.addi %add3A, %add3A_57 : i32
        %mul3A_96 = arith.constant 640 : i32
        %mul3A_97 = arith.muli %add3A_95, %mul3A_96 : i32
        %dma_start3A_98 = tpu.memref_slice %arg4[%mul3A_97] : memref<6400000xi32, #tpu.memory_space<hbm>> -> memref<640xi32, #tpu.memory_space<hbm>>
        %dma_start3A_99 = tpu.memref_slice %arg4[%mul3A_97] : memref<6400000xi32, #tpu.memory_space<hbm>> -> memref<640xi32, #tpu.memory_space<hbm>>
        tpu.enqueue_dma source(%dma_start3A_99 : memref<640xi32, #tpu.memory_space<hbm>>) target(%arg7 : memref<640xi32, #tpu.memory_space<vmem>>) target_semaphore(%arg15 : memref<!tpu.dma_semaphore, #tpu.memory_space<semaphore_mem>>)
        %add3A_100 = arith.constant 3200000 : i32
        %add3A_101 = arith.addi %add3A_100, %mul3A_97 : i32
        %dma_start3A_102 = tpu.memref_slice %arg4[%add3A_101] : memref<6400000xi32, #tpu.memory_space<hbm>> -> memref<640xi32, #tpu.memory_space<hbm>>
        %dma_start3A_103 = tpu.memref_slice %arg4[%add3A_101] : memref<6400000xi32, #tpu.memory_space<hbm>> -> memref<640xi32, #tpu.memory_space<hbm>>
        tpu.enqueue_dma source(%dma_start3A_103 : memref<640xi32, #tpu.memory_space<hbm>>) target(%arg9 : memref<640xi32, #tpu.memory_space<vmem>>) target_semaphore(%arg15 : memref<!tpu.dma_semaphore, #tpu.memory_space<semaphore_mem>>)
      } else {
      }
      %dma_wait3A_77 = arith.constant 0 : i32
      %dma_wait3A_78 = arith.constant 0 : i32
      %dma_wait3A_79 = tpu.memref_slice %arg14[%dma_wait3A_77, %dma_wait3A_78] : memref<100352x16xf32, #tpu.memory_space<vmem_shared>> -> memref<640x16xf32, #tpu.memory_space<vmem_shared>>
      %dma_wait3A_80 = arith.constant 0 : i32
      %dma_wait3A_81 = arith.constant 0 : i32
      %dma_wait3A_82 = tpu.memref_slice %arg14[%dma_wait3A_80, %dma_wait3A_81] : memref<100352x16xf32, #tpu.memory_space<vmem_shared>> -> memref<640x16xf32, #tpu.memory_space<vmem_shared>>
      tpu.wait_dma2 semaphore(%arg19 : memref<!tpu.dma_semaphore, #tpu.memory_space<semaphore_mem>>) src(%arg11 : memref<640x16xf32, #tpu.memory_space<vmem>>) dst(%dma_wait3A_82 : memref<640x16xf32, #tpu.memory_space<vmem_shared>>)
      %lt3A_83 = arith.cmpi slt, %add3A_53, %add3A_10 : i32
      %convert_element_type3A_84 = arith.extui %lt3A_83 : i1 to i32
      %cond3A_85 = arith.constant 0 : i32
      %cond3A_86 = arith.cmpi ne, %convert_element_type3A_84, %cond3A_85 : i32
      scf.if %cond3A_86 {
        %dma_wait3A_95 = arith.constant 0 : i32
        %dma_wait3A_96 = arith.constant 0 : i32
        %dma_wait3A_97 = tpu.memref_slice %arg2[%dma_wait3A_95, %dma_wait3A_96] : memref<100352x16xf32, #tpu.memory_space<hbm>> -> memref<640x16xf32, #tpu.memory_space<hbm>>
        %dma_wait3A_98 = arith.constant 0 : i32
        %dma_wait3A_99 = arith.constant 0 : i32
        %dma_wait3A_100 = tpu.memref_slice %arg2[%dma_wait3A_98, %dma_wait3A_99] : memref<100352x16xf32, #tpu.memory_space<hbm>> -> memref<640x16xf32, #tpu.memory_space<hbm>>
        tpu.wait_dma2 semaphore(%arg18 : memref<!tpu.dma_semaphore, #tpu.memory_space<semaphore_mem>>) src(%dma_wait3A_100 : memref<640x16xf32, #tpu.memory_space<hbm>>) dst(%arg12 : memref<640x16xf32, #tpu.memory_space<vmem>>)
        %dma_start3A_101 = arith.constant 0 : i32
        %dma_start3A_102 = arith.constant 0 : i32
        %dma_start3A_103 = tpu.memref_slice %arg14[%dma_start3A_101, %dma_start3A_102] : memref<100352x16xf32, #tpu.memory_space<vmem_shared>> -> memref<100352x16xf32, #tpu.memory_space<vmem_shared>>
        tpu.enqueue_indirect_dma source(%arg12 : memref<640x16xf32, #tpu.memory_space<vmem>>) target(%dma_start3A_103 : memref<100352x16xf32, #tpu.memory_space<vmem_shared>>) offsets(%arg10 : memref<640xi32, #tpu.memory_space<vmem>>) semaphore(%arg20 : memref<!tpu.dma_semaphore, #tpu.memory_space<semaphore_mem>>) {add = true}
      } else {
      }
      %lt3A_87 = arith.cmpi slt, %add3A_57, %add3A_10 : i32
      %convert_element_type3A_88 = arith.extui %lt3A_87 : i1 to i32
      %cond3A_89 = arith.constant 0 : i32
      %cond3A_90 = arith.cmpi ne, %convert_element_type3A_88, %cond3A_89 : i32
      scf.if %cond3A_90 {
        %dma_wait3A_95 = arith.constant 0 : i32
        %dma_wait3A_96 = tpu.memref_slice %arg4[%dma_wait3A_95] : memref<6400000xi32, #tpu.memory_space<hbm>> -> memref<640xi32, #tpu.memory_space<hbm>>
        %dma_wait3A_97 = arith.constant 0 : i32
        %dma_wait3A_98 = tpu.memref_slice %arg4[%dma_wait3A_97] : memref<6400000xi32, #tpu.memory_space<hbm>> -> memref<640xi32, #tpu.memory_space<hbm>>
        tpu.wait_dma2 semaphore(%arg15 : memref<!tpu.dma_semaphore, #tpu.memory_space<semaphore_mem>>) src(%dma_wait3A_98 : memref<640xi32, #tpu.memory_space<hbm>>) dst(%arg7 : memref<640xi32, #tpu.memory_space<vmem>>)
        %dma_wait3A_99 = arith.constant 0 : i32
        %dma_wait3A_100 = tpu.memref_slice %arg4[%dma_wait3A_99] : memref<6400000xi32, #tpu.memory_space<hbm>> -> memref<640xi32, #tpu.memory_space<hbm>>
        %dma_wait3A_101 = arith.constant 0 : i32
        %dma_wait3A_102 = tpu.memref_slice %arg4[%dma_wait3A_101] : memref<6400000xi32, #tpu.memory_space<hbm>> -> memref<640xi32, #tpu.memory_space<hbm>>
        tpu.wait_dma2 semaphore(%arg15 : memref<!tpu.dma_semaphore, #tpu.memory_space<semaphore_mem>>) src(%dma_wait3A_102 : memref<640xi32, #tpu.memory_space<hbm>>) dst(%arg9 : memref<640xi32, #tpu.memory_space<vmem>>)
        %eq3A = arith.constant 0 : i32
        %eq3A_103 = arith.cmpi eq, %arg0, %eq3A : i32
        %convert_element_type3A_104 = arith.extui %eq3A_103 : i1 to i32
        %cond3A_105 = arith.constant 0 : i32
        %cond3A_106 = arith.cmpi ne, %convert_element_type3A_104, %cond3A_105 : i32
        scf.if %cond3A_106 {
          %dma_start3A_112 = arith.constant 0 : i32
          %dma_start3A_113 = arith.constant 0 : i32
          %dma_start3A_114 = tpu.memref_slice %arg2[%dma_start3A_112, %dma_start3A_113] : memref<100352x16xf32, #tpu.memory_space<hbm>> -> memref<100352x16xf32, #tpu.memory_space<hbm>>
          tpu.enqueue_indirect_dma source(%dma_start3A_114 : memref<100352x16xf32, #tpu.memory_space<hbm>>) target(%arg11 : memref<640x16xf32, #tpu.memory_space<vmem>>) offsets(%arg7 : memref<640xi32, #tpu.memory_space<vmem>>) semaphore(%arg17 : memref<!tpu.dma_semaphore, #tpu.memory_space<semaphore_mem>>)
        } else {
        }
        %eq3A_107 = arith.constant 1 : i32
        %eq3A_108 = arith.cmpi eq, %arg0, %eq3A_107 : i32
        %convert_element_type3A_109 = arith.extui %eq3A_108 : i1 to i32
        %cond3A_110 = arith.constant 0 : i32
        %cond3A_111 = arith.cmpi ne, %convert_element_type3A_109, %cond3A_110 : i32
        scf.if %cond3A_111 {
          %dma_start3A_112 = arith.constant 0 : i32
          %dma_start3A_113 = arith.constant 0 : i32
          %dma_start3A_114 = tpu.memref_slice %arg3[%dma_start3A_112, %dma_start3A_113] : memref<100352x16xf32, #tpu.memory_space<hbm>> -> memref<100352x16xf32, #tpu.memory_space<hbm>>
          tpu.enqueue_indirect_dma source(%dma_start3A_114 : memref<100352x16xf32, #tpu.memory_space<hbm>>) target(%arg11 : memref<640x16xf32, #tpu.memory_space<vmem>>) offsets(%arg7 : memref<640xi32, #tpu.memory_space<vmem>>) semaphore(%arg17 : memref<!tpu.dma_semaphore, #tpu.memory_space<semaphore_mem>>)
        } else {
        }
      } else {
      }
      %lt3A_91 = arith.cmpi slt, %add3A_53, %add3A_10 : i32
      %convert_element_type3A_92 = arith.extui %lt3A_91 : i1 to i32
      %cond3A_93 = arith.constant 0 : i32
      %cond3A_94 = arith.cmpi ne, %convert_element_type3A_92, %cond3A_93 : i32
      scf.if %cond3A_94 {
        %dma_wait3A_95 = arith.constant 0 : i32
        %dma_wait3A_96 = arith.constant 0 : i32
        %dma_wait3A_97 = tpu.memref_slice %arg14[%dma_wait3A_95, %dma_wait3A_96] : memref<100352x16xf32, #tpu.memory_space<vmem_shared>> -> memref<640x16xf32, #tpu.memory_space<vmem_shared>>
        %dma_wait3A_98 = arith.constant 0 : i32
        %dma_wait3A_99 = arith.constant 0 : i32
        %dma_wait3A_100 = tpu.memref_slice %arg14[%dma_wait3A_98, %dma_wait3A_99] : memref<100352x16xf32, #tpu.memory_space<vmem_shared>> -> memref<640x16xf32, #tpu.memory_space<vmem_shared>>
        tpu.wait_dma2 semaphore(%arg20 : memref<!tpu.dma_semaphore, #tpu.memory_space<semaphore_mem>>) src(%arg12 : memref<640x16xf32, #tpu.memory_space<vmem>>) dst(%dma_wait3A_100 : memref<640x16xf32, #tpu.memory_space<vmem_shared>>)
      } else {
      }
    }
    %while3A_41 = arith.constant 1 : i32
    scf.for %while3A_49 = %while3A_39 to %while3A_35 step %while3A_41  : i32 {
      %mul3A_50 = arith.constant 2 : i32
      %mul3A_51 = arith.muli %mul3A_50, %while3A_49 : i32
      %add3A_52 = arith.constant 1 : i32
      %add3A_53 = arith.addi %mul3A_51, %add3A_52 : i32
      %mul3A_54 = arith.constant 2 : i32
      %mul3A_55 = arith.muli %mul3A_54, %while3A_49 : i32
      %add3A_56 = arith.constant 2 : i32
      %add3A_57 = arith.addi %mul3A_55, %add3A_56 : i32
      %lt3A_58 = arith.cmpi slt, %add3A_53, %add3A_10 : i32
      %convert_element_type3A_59 = arith.extui %lt3A_58 : i1 to i32
      %cond3A_60 = arith.constant 0 : i32
      %cond3A_61 = arith.cmpi ne, %convert_element_type3A_59, %cond3A_60 : i32
      scf.if %cond3A_61 {
        %add3A_95 = arith.addi %add3A, %add3A_53 : i32
        %mul3A_96 = arith.constant 640 : i32
        %mul3A_97 = arith.muli %add3A_95, %mul3A_96 : i32
        %dma_start3A_98 = tpu.memref_slice %arg4[%mul3A_97] : memref<6400000xi32, #tpu.memory_space<hbm>> -> memref<640xi32, #tpu.memory_space<hbm>>
        %dma_start3A_99 = tpu.memref_slice %arg4[%mul3A_97] : memref<6400000xi32, #tpu.memory_space<hbm>> -> memref<640xi32, #tpu.memory_space<hbm>>
        tpu.enqueue_dma source(%dma_start3A_99 : memref<640xi32, #tpu.memory_space<hbm>>) target(%arg8 : memref<640xi32, #tpu.memory_space<vmem>>) target_semaphore(%arg16 : memref<!tpu.dma_semaphore, #tpu.memory_space<semaphore_mem>>)
        %add3A_100 = arith.constant 3200000 : i32
        %add3A_101 = arith.addi %add3A_100, %mul3A_97 : i32
        %dma_start3A_102 = tpu.memref_slice %arg4[%add3A_101] : memref<6400000xi32, #tpu.memory_space<hbm>> -> memref<640xi32, #tpu.memory_space<hbm>>
        %dma_start3A_103 = tpu.memref_slice %arg4[%add3A_101] : memref<6400000xi32, #tpu.memory_space<hbm>> -> memref<640xi32, #tpu.memory_space<hbm>>
        tpu.enqueue_dma source(%dma_start3A_103 : memref<640xi32, #tpu.memory_space<hbm>>) target(%arg10 : memref<640xi32, #tpu.memory_space<vmem>>) target_semaphore(%arg16 : memref<!tpu.dma_semaphore, #tpu.memory_space<semaphore_mem>>)
      } else {
      }
      %dma_wait3A = arith.constant 0 : i32
      %dma_wait3A_62 = arith.constant 0 : i32
      %dma_wait3A_63 = tpu.memref_slice %arg2[%dma_wait3A, %dma_wait3A_62] : memref<100352x16xf32, #tpu.memory_space<hbm>> -> memref<640x16xf32, #tpu.memory_space<hbm>>
      %dma_wait3A_64 = arith.constant 0 : i32
      %dma_wait3A_65 = arith.constant 0 : i32
      %dma_wait3A_66 = tpu.memref_slice %arg2[%dma_wait3A_64, %dma_wait3A_65] : memref<100352x16xf32, #tpu.memory_space<hbm>> -> memref<640x16xf32, #tpu.memory_space<hbm>>
      tpu.wait_dma2 semaphore(%arg17 : memref<!tpu.dma_semaphore, #tpu.memory_space<semaphore_mem>>) src(%dma_wait3A_66 : memref<640x16xf32, #tpu.memory_space<hbm>>) dst(%arg11 : memref<640x16xf32, #tpu.memory_space<vmem>>)
      %dma_start3A = arith.constant 0 : i32
      %dma_start3A_67 = arith.constant 0 : i32
      %dma_start3A_68 = tpu.memref_slice %arg14[%dma_start3A, %dma_start3A_67] : memref<100352x16xf32, #tpu.memory_space<vmem_shared>> -> memref<100352x16xf32, #tpu.memory_space<vmem_shared>>
      tpu.enqueue_indirect_dma source(%arg11 : memref<640x16xf32, #tpu.memory_space<vmem>>) target(%dma_start3A_68 : memref<100352x16xf32, #tpu.memory_space<vmem_shared>>) offsets(%arg9 : memref<640xi32, #tpu.memory_space<vmem>>) semaphore(%arg19 : memref<!tpu.dma_semaphore, #tpu.memory_space<semaphore_mem>>) {add = true}
      %lt3A_69 = arith.cmpi slt, %add3A_53, %add3A_10 : i32
      %convert_element_type3A_70 = arith.extui %lt3A_69 : i1 to i32
      %cond3A_71 = arith.constant 0 : i32
      %cond3A_72 = arith.cmpi ne, %convert_element_type3A_70, %cond3A_71 : i32
      scf.if %cond3A_72 {
        %dma_wait3A_95 = arith.constant 0 : i32
        %dma_wait3A_96 = tpu.memref_slice %arg4[%dma_wait3A_95] : memref<6400000xi32, #tpu.memory_space<hbm>> -> memref<640xi32, #tpu.memory_space<hbm>>
        %dma_wait3A_97 = arith.constant 0 : i32
        %dma_wait3A_98 = tpu.memref_slice %arg4[%dma_wait3A_97] : memref<6400000xi32, #tpu.memory_space<hbm>> -> memref<640xi32, #tpu.memory_space<hbm>>
        tpu.wait_dma2 semaphore(%arg16 : memref<!tpu.dma_semaphore, #tpu.memory_space<semaphore_mem>>) src(%dma_wait3A_98 : memref<640xi32, #tpu.memory_space<hbm>>) dst(%arg8 : memref<640xi32, #tpu.memory_space<vmem>>)
        %dma_wait3A_99 = arith.constant 0 : i32
        %dma_wait3A_100 = tpu.memref_slice %arg4[%dma_wait3A_99] : memref<6400000xi32, #tpu.memory_space<hbm>> -> memref<640xi32, #tpu.memory_space<hbm>>
        %dma_wait3A_101 = arith.constant 0 : i32
        %dma_wait3A_102 = tpu.memref_slice %arg4[%dma_wait3A_101] : memref<6400000xi32, #tpu.memory_space<hbm>> -> memref<640xi32, #tpu.memory_space<hbm>>
        tpu.wait_dma2 semaphore(%arg16 : memref<!tpu.dma_semaphore, #tpu.memory_space<semaphore_mem>>) src(%dma_wait3A_102 : memref<640xi32, #tpu.memory_space<hbm>>) dst(%arg10 : memref<640xi32, #tpu.memory_space<vmem>>)
        %eq3A = arith.constant 0 : i32
        %eq3A_103 = arith.cmpi eq, %arg0, %eq3A : i32
        %convert_element_type3A_104 = arith.extui %eq3A_103 : i1 to i32
        %cond3A_105 = arith.constant 0 : i32
        %cond3A_106 = arith.cmpi ne, %convert_element_type3A_104, %cond3A_105 : i32
        scf.if %cond3A_106 {
          %dma_start3A_112 = arith.constant 0 : i32
          %dma_start3A_113 = arith.constant 0 : i32
          %dma_start3A_114 = tpu.memref_slice %arg2[%dma_start3A_112, %dma_start3A_113] : memref<100352x16xf32, #tpu.memory_space<hbm>> -> memref<100352x16xf32, #tpu.memory_space<hbm>>
          tpu.enqueue_indirect_dma source(%dma_start3A_114 : memref<100352x16xf32, #tpu.memory_space<hbm>>) target(%arg12 : memref<640x16xf32, #tpu.memory_space<vmem>>) offsets(%arg8 : memref<640xi32, #tpu.memory_space<vmem>>) semaphore(%arg18 : memref<!tpu.dma_semaphore, #tpu.memory_space<semaphore_mem>>)
        } else {
        }
        %eq3A_107 = arith.constant 1 : i32
        %eq3A_108 = arith.cmpi eq, %arg0, %eq3A_107 : i32
        %convert_element_type3A_109 = arith.extui %eq3A_108 : i1 to i32
        %cond3A_110 = arith.constant 0 : i32
        %cond3A_111 = arith.cmpi ne, %convert_element_type3A_109, %cond3A_110 : i32
        scf.if %cond3A_111 {
          %dma_start3A_112 = arith.constant 0 : i32
          %dma_start3A_113 = arith.constant 0 : i32
          %dma_start3A_114 = tpu.memref_slice %arg3[%dma_start3A_112, %dma_start3A_113] : memref<100352x16xf32, #tpu.memory_space<hbm>> -> memref<100352x16xf32, #tpu.memory_space<hbm>>
          tpu.enqueue_indirect_dma source(%dma_start3A_114 : memref<100352x16xf32, #tpu.memory_space<hbm>>) target(%arg12 : memref<640x16xf32, #tpu.memory_space<vmem>>) offsets(%arg8 : memref<640xi32, #tpu.memory_space<vmem>>) semaphore(%arg18 : memref<!tpu.dma_semaphore, #tpu.memory_space<semaphore_mem>>)
        } else {
        }
      } else {
      }
      %lt3A_73 = arith.cmpi slt, %add3A_57, %add3A_10 : i32
      %convert_element_type3A_74 = arith.extui %lt3A_73 : i1 to i32
      %cond3A_75 = arith.constant 0 : i32
      %cond3A_76 = arith.cmpi ne, %convert_element_type3A_74, %cond3A_75 : i32
      scf.if %cond3A_76 {
        %add3A_95 = arith.addi %add3A, %add3A_57 : i32
        %mul3A_96 = arith.constant 640 : i32
        %mul3A_97 = arith.muli %add3A_95, %mul3A_96 : i32
        %dma_start3A_98 = tpu.memref_slice %arg4[%mul3A_97] : memref<6400000xi32, #tpu.memory_space<hbm>> -> memref<640xi32, #tpu.memory_space<hbm>>
        %dma_start3A_99 = tpu.memref_slice %arg4[%mul3A_97] : memref<6400000xi32, #tpu.memory_space<hbm>> -> memref<640xi32, #tpu.memory_space<hbm>>
        tpu.enqueue_dma source(%dma_start3A_99 : memref<640xi32, #tpu.memory_space<hbm>>) target(%arg7 : memref<640xi32, #tpu.memory_space<vmem>>) target_semaphore(%arg15 : memref<!tpu.dma_semaphore, #tpu.memory_space<semaphore_mem>>)
        %add3A_100 = arith.constant 3200000 : i32
        %add3A_101 = arith.addi %add3A_100, %mul3A_97 : i32
        %dma_start3A_102 = tpu.memref_slice %arg4[%add3A_101] : memref<6400000xi32, #tpu.memory_space<hbm>> -> memref<640xi32, #tpu.memory_space<hbm>>
        %dma_start3A_103 = tpu.memref_slice %arg4[%add3A_101] : memref<6400000xi32, #tpu.memory_space<hbm>> -> memref<640xi32, #tpu.memory_space<hbm>>
        tpu.enqueue_dma source(%dma_start3A_103 : memref<640xi32, #tpu.memory_space<hbm>>) target(%arg9 : memref<640xi32, #tpu.memory_space<vmem>>) target_semaphore(%arg15 : memref<!tpu.dma_semaphore, #tpu.memory_space<semaphore_mem>>)
      } else {
      }
      %dma_wait3A_77 = arith.constant 0 : i32
      %dma_wait3A_78 = arith.constant 0 : i32
      %dma_wait3A_79 = tpu.memref_slice %arg14[%dma_wait3A_77, %dma_wait3A_78] : memref<100352x16xf32, #tpu.memory_space<vmem_shared>> -> memref<640x16xf32, #tpu.memory_space<vmem_shared>>
      %dma_wait3A_80 = arith.constant 0 : i32
      %dma_wait3A_81 = arith.constant 0 : i32
      %dma_wait3A_82 = tpu.memref_slice %arg14[%dma_wait3A_80, %dma_wait3A_81] : memref<100352x16xf32, #tpu.memory_space<vmem_shared>> -> memref<640x16xf32, #tpu.memory_space<vmem_shared>>
      tpu.wait_dma2 semaphore(%arg19 : memref<!tpu.dma_semaphore, #tpu.memory_space<semaphore_mem>>) src(%arg11 : memref<640x16xf32, #tpu.memory_space<vmem>>) dst(%dma_wait3A_82 : memref<640x16xf32, #tpu.memory_space<vmem_shared>>)
      %lt3A_83 = arith.cmpi slt, %add3A_53, %add3A_10 : i32
      %convert_element_type3A_84 = arith.extui %lt3A_83 : i1 to i32
      %cond3A_85 = arith.constant 0 : i32
      %cond3A_86 = arith.cmpi ne, %convert_element_type3A_84, %cond3A_85 : i32
      scf.if %cond3A_86 {
        %dma_wait3A_95 = arith.constant 0 : i32
        %dma_wait3A_96 = arith.constant 0 : i32
        %dma_wait3A_97 = tpu.memref_slice %arg2[%dma_wait3A_95, %dma_wait3A_96] : memref<100352x16xf32, #tpu.memory_space<hbm>> -> memref<640x16xf32, #tpu.memory_space<hbm>>
        %dma_wait3A_98 = arith.constant 0 : i32
        %dma_wait3A_99 = arith.constant 0 : i32
        %dma_wait3A_100 = tpu.memref_slice %arg2[%dma_wait3A_98, %dma_wait3A_99] : memref<100352x16xf32, #tpu.memory_space<hbm>> -> memref<640x16xf32, #tpu.memory_space<hbm>>
        tpu.wait_dma2 semaphore(%arg18 : memref<!tpu.dma_semaphore, #tpu.memory_space<semaphore_mem>>) src(%dma_wait3A_100 : memref<640x16xf32, #tpu.memory_space<hbm>>) dst(%arg12 : memref<640x16xf32, #tpu.memory_space<vmem>>)
        %dma_start3A_101 = arith.constant 0 : i32
        %dma_start3A_102 = arith.constant 0 : i32
        %dma_start3A_103 = tpu.memref_slice %arg14[%dma_start3A_101, %dma_start3A_102] : memref<100352x16xf32, #tpu.memory_space<vmem_shared>> -> memref<100352x16xf32, #tpu.memory_space<vmem_shared>>
        tpu.enqueue_indirect_dma source(%arg12 : memref<640x16xf32, #tpu.memory_space<vmem>>) target(%dma_start3A_103 : memref<100352x16xf32, #tpu.memory_space<vmem_shared>>) offsets(%arg10 : memref<640xi32, #tpu.memory_space<vmem>>) semaphore(%arg20 : memref<!tpu.dma_semaphore, #tpu.memory_space<semaphore_mem>>) {add = true}
      } else {
      }
      %lt3A_87 = arith.cmpi slt, %add3A_57, %add3A_10 : i32
      %convert_element_type3A_88 = arith.extui %lt3A_87 : i1 to i32
      %cond3A_89 = arith.constant 0 : i32
      %cond3A_90 = arith.cmpi ne, %convert_element_type3A_88, %cond3A_89 : i32
      scf.if %cond3A_90 {
        %dma_wait3A_95 = arith.constant 0 : i32
        %dma_wait3A_96 = tpu.memref_slice %arg4[%dma_wait3A_95] : memref<6400000xi32, #tpu.memory_space<hbm>> -> memref<640xi32, #tpu.memory_space<hbm>>
        %dma_wait3A_97 = arith.constant 0 : i32
        %dma_wait3A_98 = tpu.memref_slice %arg4[%dma_wait3A_97] : memref<6400000xi32, #tpu.memory_space<hbm>> -> memref<640xi32, #tpu.memory_space<hbm>>
        tpu.wait_dma2 semaphore(%arg15 : memref<!tpu.dma_semaphore, #tpu.memory_space<semaphore_mem>>) src(%dma_wait3A_98 : memref<640xi32, #tpu.memory_space<hbm>>) dst(%arg7 : memref<640xi32, #tpu.memory_space<vmem>>)
        %dma_wait3A_99 = arith.constant 0 : i32
        %dma_wait3A_100 = tpu.memref_slice %arg4[%dma_wait3A_99] : memref<6400000xi32, #tpu.memory_space<hbm>> -> memref<640xi32, #tpu.memory_space<hbm>>
        %dma_wait3A_101 = arith.constant 0 : i32
        %dma_wait3A_102 = tpu.memref_slice %arg4[%dma_wait3A_101] : memref<6400000xi32, #tpu.memory_space<hbm>> -> memref<640xi32, #tpu.memory_space<hbm>>
        tpu.wait_dma2 semaphore(%arg15 : memref<!tpu.dma_semaphore, #tpu.memory_space<semaphore_mem>>) src(%dma_wait3A_102 : memref<640xi32, #tpu.memory_space<hbm>>) dst(%arg9 : memref<640xi32, #tpu.memory_space<vmem>>)
        %eq3A = arith.constant 0 : i32
        %eq3A_103 = arith.cmpi eq, %arg0, %eq3A : i32
        %convert_element_type3A_104 = arith.extui %eq3A_103 : i1 to i32
        %cond3A_105 = arith.constant 0 : i32
        %cond3A_106 = arith.cmpi ne, %convert_element_type3A_104, %cond3A_105 : i32
        scf.if %cond3A_106 {
          %dma_start3A_112 = arith.constant 0 : i32
          %dma_start3A_113 = arith.constant 0 : i32
          %dma_start3A_114 = tpu.memref_slice %arg2[%dma_start3A_112, %dma_start3A_113] : memref<100352x16xf32, #tpu.memory_space<hbm>> -> memref<100352x16xf32, #tpu.memory_space<hbm>>
          tpu.enqueue_indirect_dma source(%dma_start3A_114 : memref<100352x16xf32, #tpu.memory_space<hbm>>) target(%arg11 : memref<640x16xf32, #tpu.memory_space<vmem>>) offsets(%arg7 : memref<640xi32, #tpu.memory_space<vmem>>) semaphore(%arg17 : memref<!tpu.dma_semaphore, #tpu.memory_space<semaphore_mem>>)
        } else {
        }
        %eq3A_107 = arith.constant 1 : i32
        %eq3A_108 = arith.cmpi eq, %arg0, %eq3A_107 : i32
        %convert_element_type3A_109 = arith.extui %eq3A_108 : i1 to i32
        %cond3A_110 = arith.constant 0 : i32
        %cond3A_111 = arith.cmpi ne, %convert_element_type3A_109, %cond3A_110 : i32
        scf.if %cond3A_111 {
          %dma_start3A_112 = arith.constant 0 : i32
          %dma_start3A_113 = arith.constant 0 : i32
          %dma_start3A_114 = tpu.memref_slice %arg3[%dma_start3A_112, %dma_start3A_113] : memref<100352x16xf32, #tpu.memory_space<hbm>> -> memref<100352x16xf32, #tpu.memory_space<hbm>>
          tpu.enqueue_indirect_dma source(%dma_start3A_114 : memref<100352x16xf32, #tpu.memory_space<hbm>>) target(%arg11 : memref<640x16xf32, #tpu.memory_space<vmem>>) offsets(%arg7 : memref<640xi32, #tpu.memory_space<vmem>>) semaphore(%arg17 : memref<!tpu.dma_semaphore, #tpu.memory_space<semaphore_mem>>)
        } else {
        }
      } else {
      }
      %lt3A_91 = arith.cmpi slt, %add3A_53, %add3A_10 : i32
      %convert_element_type3A_92 = arith.extui %lt3A_91 : i1 to i32
      %cond3A_93 = arith.constant 0 : i32
      %cond3A_94 = arith.cmpi ne, %convert_element_type3A_92, %cond3A_93 : i32
      scf.if %cond3A_94 {
        %dma_wait3A_95 = arith.constant 0 : i32
        %dma_wait3A_96 = arith.constant 0 : i32
        %dma_wait3A_97 = tpu.memref_slice %arg14[%dma_wait3A_95, %dma_wait3A_96] : memref<100352x16xf32, #tpu.memory_space<vmem_shared>> -> memref<640x16xf32, #tpu.memory_space<vmem_shared>>
        %dma_wait3A_98 = arith.constant 0 : i32
        %dma_wait3A_99 = arith.constant 0 : i32
        %dma_wait3A_100 = tpu.memref_slice %arg14[%dma_wait3A_98, %dma_wait3A_99] : memref<100352x16xf32, #tpu.memory_space<vmem_shared>> -> memref<640x16xf32, #tpu.memory_space<vmem_shared>>
        tpu.wait_dma2 semaphore(%arg20 : memref<!tpu.dma_semaphore, #tpu.memory_space<semaphore_mem>>) src(%arg12 : memref<640x16xf32, #tpu.memory_space<vmem>>) dst(%dma_wait3A_100 : memref<640x16xf32, #tpu.memory_space<vmem_shared>>)
      } else {
      }
    }
    %barrier3A_42 = arith.constant 0 : index
    tpu.barrier barrier_id(%barrier3A_42)
    %scan3A_43 = arith.constant 0 : i32
    %scan3A_44 = arith.constant 0 : i32
    %scan3A_45 = arith.constant 14 : i32
    %scan3A_46 = arith.addi %scan3A_44, %scan3A_45 : i32
    %scan3A_47 = arith.constant 1 : i32
    scf.for %scan3A_49 = %scan3A_44 to %scan3A_46 step %scan3A_47  : i32 {
      %mul3A_50 = arith.constant 6272 : i32
      %mul3A_51 = arith.muli %arg1, %mul3A_50 : i32
      %mul3A_52 = arith.constant 448 : i32
      %mul3A_53 = arith.muli %scan3A_49, %mul3A_52 : i32
      %add3A_54 = arith.addi %mul3A_51, %mul3A_53 : i32
      "tpu.region"() ({
        %run_scoped3A = tpu.sem_alloc : memref<!tpu.dma_semaphore, #tpu.memory_space<semaphore_mem>>
        %dma_start3A = arith.constant 0 : i32
        %dma_start3A_63 = tpu.memref_slice %arg14[%add3A_54, %dma_start3A] : memref<100352x16xf32, #tpu.memory_space<vmem_shared>> -> memref<448x16xf32, #tpu.memory_space<vmem_shared>>
        %dma_start3A_64 = arith.constant 0 : i32
        %dma_start3A_65 = tpu.memref_slice %arg14[%add3A_54, %dma_start3A_64] : memref<100352x16xf32, #tpu.memory_space<vmem_shared>> -> memref<448x16xf32, #tpu.memory_space<vmem_shared>>
        tpu.enqueue_dma source(%dma_start3A_65 : memref<448x16xf32, #tpu.memory_space<vmem_shared>>) target(%arg13 : memref<448x16xf32, #tpu.memory_space<vmem>>) target_semaphore(%run_scoped3A : memref<!tpu.dma_semaphore, #tpu.memory_space<semaphore_mem>>)
        %dma_wait3A = arith.constant 0 : i32
        %dma_wait3A_66 = tpu.memref_slice %arg14[%add3A_54, %dma_wait3A] : memref<100352x16xf32, #tpu.memory_space<vmem_shared>> -> memref<448x16xf32, #tpu.memory_space<vmem_shared>>
        %dma_wait3A_67 = arith.constant 0 : i32
        %dma_wait3A_68 = tpu.memref_slice %arg14[%add3A_54, %dma_wait3A_67] : memref<100352x16xf32, #tpu.memory_space<vmem_shared>> -> memref<448x16xf32, #tpu.memory_space<vmem_shared>>
        tpu.wait_dma2 semaphore(%run_scoped3A : memref<!tpu.dma_semaphore, #tpu.memory_space<semaphore_mem>>) src(%dma_wait3A_68 : memref<448x16xf32, #tpu.memory_space<vmem_shared>>) dst(%arg13 : memref<448x16xf32, #tpu.memory_space<vmem>>)
        tpu.yield
      }) : () -> ()
      %mul3A_55 = arith.constant 100352 : i32
      %mul3A_56 = arith.muli %arg0, %mul3A_55 : i32
      %mul3A_57 = arith.constant 6272 : i32
      %mul3A_58 = arith.muli %arg1, %mul3A_57 : i32
      %add3A_59 = arith.addi %mul3A_56, %mul3A_58 : i32
      %mul3A_60 = arith.constant 448 : i32
      %mul3A_61 = arith.muli %scan3A_49, %mul3A_60 : i32
      %add3A_62 = arith.addi %add3A_59, %mul3A_61 : i32
      "tpu.region"() ({
        %run_scoped3A = tpu.sem_alloc : memref<!tpu.dma_semaphore, #tpu.memory_space<semaphore_mem>>
        %dma_start3A = arith.constant 0 : i32
        %dma_start3A_63 = tpu.memref_slice %arg6[%add3A_62, %dma_start3A] : memref<200704x16xf32, #tpu.memory_space<hbm>> -> memref<448x16xf32, #tpu.memory_space<hbm>>
        %dma_start3A_64 = arith.constant 0 : i32
        %dma_start3A_65 = tpu.memref_slice %arg6[%add3A_62, %dma_start3A_64] : memref<200704x16xf32, #tpu.memory_space<hbm>> -> memref<448x16xf32, #tpu.memory_space<hbm>>
        tpu.enqueue_dma source(%arg13 : memref<448x16xf32, #tpu.memory_space<vmem>>) target(%dma_start3A_65 : memref<448x16xf32, #tpu.memory_space<hbm>>) target_semaphore(%run_scoped3A : memref<!tpu.dma_semaphore, #tpu.memory_space<semaphore_mem>>)
        %dma_wait3A = arith.constant 0 : i32
        %dma_wait3A_66 = tpu.memref_slice %arg6[%add3A_62, %dma_wait3A] : memref<200704x16xf32, #tpu.memory_space<hbm>> -> memref<448x16xf32, #tpu.memory_space<hbm>>
        %dma_wait3A_67 = arith.constant 0 : i32
        %dma_wait3A_68 = tpu.memref_slice %arg6[%add3A_62, %dma_wait3A_67] : memref<200704x16xf32, #tpu.memory_space<hbm>> -> memref<448x16xf32, #tpu.memory_space<hbm>>
        tpu.wait_dma2 semaphore(%run_scoped3A : memref<!tpu.dma_semaphore, #tpu.memory_space<semaphore_mem>>) src(%arg13 : memref<448x16xf32, #tpu.memory_space<vmem>>) dst(%dma_wait3A_68 : memref<448x16xf32, #tpu.memory_space<hbm>>)
        tpu.yield
      }) : () -> ()
    }
    %scan3A_48 = arith.constant 14 : i32
    return
  }
}

#map = affine_map<(d0, d1) -> (0, 0)>
#map1 = affine_map<(d0, d1) -> (0)>
module attributes {stable_mosaic.version = 14 : i64} {
  func.func @sc_agg(%arg0: i32, %arg1: i32, %arg2: memref<100352x8xf32, #tpu.memory_space<hbm>>, %arg3: memref<6400000xi32, #tpu.memory_space<hbm>>, %arg4: memref<448x8xf32, #tpu.memory_space<hbm>>, %arg5: memref<200704x8xf32, #tpu.memory_space<hbm>>, %arg6: memref<1024xi32, #tpu.memory_space<vmem>>, %arg7: memref<1024xi32, #tpu.memory_space<vmem>>, %arg8: memref<1024xi32, #tpu.memory_space<vmem>>, %arg9: memref<1024xi32, #tpu.memory_space<vmem>>, %arg10: memref<1024x8xf32, #tpu.memory_space<vmem>>, %arg11: memref<1024x8xf32, #tpu.memory_space<vmem>>, %arg12: memref<448x8xf32, #tpu.memory_space<vmem>>, %arg13: memref<100352x8xf32, #tpu.memory_space<vmem_shared>>, %arg14: memref<!tpu.dma_semaphore, #tpu.memory_space<semaphore_mem>>, %arg15: memref<!tpu.dma_semaphore, #tpu.memory_space<semaphore_mem>>, %arg16: memref<!tpu.dma_semaphore, #tpu.memory_space<semaphore_mem>>, %arg17: memref<!tpu.dma_semaphore, #tpu.memory_space<semaphore_mem>>, %arg18: memref<!tpu.dma_semaphore, #tpu.memory_space<semaphore_mem>>, %arg19: memref<!tpu.dma_semaphore, #tpu.memory_space<semaphore_mem>>) attributes {dimension_semantics = [#tpu.dimension_semantics<core_parallel>, #tpu.dimension_semantics<subcore_parallel>], iteration_bounds = array<i64: 2, 16>, scalar_prefetch = 0 : i64, scratch_operands = 14 : i64, tpu.core_type = #tpu.core_type<sc_vector_subcore>, window_params = [{transform_indices = #map}, {transform_indices = #map1}, {transform_indices = #map}, {transform_indices = #map}]} {
    "tpu.region"() ({
      %run_scoped3A = tpu.sem_alloc : memref<!tpu.dma_semaphore, #tpu.memory_space<semaphore_mem>>
      tpu.enqueue_dma source(%arg4 : memref<448x8xf32, #tpu.memory_space<hbm>>) target(%arg12 : memref<448x8xf32, #tpu.memory_space<vmem>>) target_semaphore(%run_scoped3A : memref<!tpu.dma_semaphore, #tpu.memory_space<semaphore_mem>>)
      tpu.wait_dma2 semaphore(%run_scoped3A : memref<!tpu.dma_semaphore, #tpu.memory_space<semaphore_mem>>) src(%arg4 : memref<448x8xf32, #tpu.memory_space<hbm>>) dst(%arg12 : memref<448x8xf32, #tpu.memory_space<vmem>>)
      tpu.yield
    }) : () -> ()
    %scan3A = arith.constant 0 : i32
    %scan3A_0 = arith.constant 0 : i32
    %scan3A_1 = arith.constant 14 : i32
    %scan3A_2 = arith.addi %scan3A_0, %scan3A_1 : i32
    %scan3A_3 = arith.constant 1 : i32
    scf.for %scan3A_52 = %scan3A_0 to %scan3A_2 step %scan3A_3  : i32 {
      %mul3A_53 = arith.constant 6272 : i32
      %mul3A_54 = arith.muli %arg1, %mul3A_53 : i32
      %mul3A_55 = arith.constant 448 : i32
      %mul3A_56 = arith.muli %scan3A_52, %mul3A_55 : i32
      %add3A_57 = arith.addi %mul3A_54, %mul3A_56 : i32
      "tpu.region"() ({
        %run_scoped3A = tpu.sem_alloc : memref<!tpu.dma_semaphore, #tpu.memory_space<semaphore_mem>>
        %dma_start3A = arith.constant 0 : i32
        %dma_start3A_58 = tpu.memref_slice %arg13[%add3A_57, %dma_start3A] : memref<100352x8xf32, #tpu.memory_space<vmem_shared>> -> memref<448x8xf32, #tpu.memory_space<vmem_shared>>
        %dma_start3A_59 = arith.constant 0 : i32
        %dma_start3A_60 = tpu.memref_slice %arg13[%add3A_57, %dma_start3A_59] : memref<100352x8xf32, #tpu.memory_space<vmem_shared>> -> memref<448x8xf32, #tpu.memory_space<vmem_shared>>
        tpu.enqueue_dma source(%arg12 : memref<448x8xf32, #tpu.memory_space<vmem>>) target(%dma_start3A_60 : memref<448x8xf32, #tpu.memory_space<vmem_shared>>) target_semaphore(%run_scoped3A : memref<!tpu.dma_semaphore, #tpu.memory_space<semaphore_mem>>)
        %dma_wait3A = arith.constant 0 : i32
        %dma_wait3A_61 = tpu.memref_slice %arg13[%add3A_57, %dma_wait3A] : memref<100352x8xf32, #tpu.memory_space<vmem_shared>> -> memref<448x8xf32, #tpu.memory_space<vmem_shared>>
        %dma_wait3A_62 = arith.constant 0 : i32
        %dma_wait3A_63 = tpu.memref_slice %arg13[%add3A_57, %dma_wait3A_62] : memref<100352x8xf32, #tpu.memory_space<vmem_shared>> -> memref<448x8xf32, #tpu.memory_space<vmem_shared>>
        tpu.wait_dma2 semaphore(%run_scoped3A : memref<!tpu.dma_semaphore, #tpu.memory_space<semaphore_mem>>) src(%arg12 : memref<448x8xf32, #tpu.memory_space<vmem>>) dst(%dma_wait3A_63 : memref<448x8xf32, #tpu.memory_space<vmem_shared>>)
        tpu.yield
      }) : () -> ()
    }
    %scan3A_4 = arith.constant 14 : i32
    %barrier3A = arith.constant 0 : index
    tpu.barrier barrier_id(%barrier3A)
    %mul3A = arith.constant 16 : i32
    %mul3A_5 = arith.muli %arg0, %mul3A : i32
    %add3A = arith.addi %mul3A_5, %arg1 : i32
    %mul3A_6 = arith.constant 97 : i32
    %mul3A_7 = arith.muli %add3A, %mul3A_6 : i32
    %min3A = arith.constant 21 : i32
    %min3A_8 = arith.minsi %add3A, %min3A : i32
    %add3A_9 = arith.addi %mul3A_7, %min3A_8 : i32
    %lt3A = arith.constant 21 : i32
    %lt3A_10 = arith.cmpi slt, %add3A, %lt3A : i32
    %jit3A = arith.constant 1 : i32
    %jit3A_11 = arith.constant 0 : i32
    %select_n3A = arith.select %lt3A_10, %jit3A, %jit3A_11 : i32
    %add3A_12 = arith.constant 97 : i32
    %add3A_13 = arith.addi %add3A_12, %select_n3A : i32
    %gt3A = arith.constant 0 : i32
    %gt3A_14 = arith.cmpi sgt, %add3A_13, %gt3A : i32
    %convert_element_type3A = arith.extui %gt3A_14 : i1 to i32
    %cond3A = arith.constant 0 : i32
    %cond3A_15 = arith.cmpi ne, %convert_element_type3A, %cond3A : i32
    scf.if %cond3A_15 {
      %add3A_52 = arith.constant 0 : i32
      %add3A_53 = arith.addi %add3A_9, %add3A_52 : i32
      %mul3A_54 = arith.constant 1024 : i32
      %mul3A_55 = arith.muli %add3A_53, %mul3A_54 : i32
      %dma_start3A = tpu.memref_slice %arg3[%mul3A_55] : memref<6400000xi32, #tpu.memory_space<hbm>> -> memref<1024xi32, #tpu.memory_space<hbm>>
      %dma_start3A_56 = tpu.memref_slice %arg3[%mul3A_55] : memref<6400000xi32, #tpu.memory_space<hbm>> -> memref<1024xi32, #tpu.memory_space<hbm>>
      tpu.enqueue_dma source(%dma_start3A_56 : memref<1024xi32, #tpu.memory_space<hbm>>) target(%arg6 : memref<1024xi32, #tpu.memory_space<vmem>>) target_semaphore(%arg14 : memref<!tpu.dma_semaphore, #tpu.memory_space<semaphore_mem>>)
      %add3A_57 = arith.constant 3200000 : i32
      %add3A_58 = arith.addi %add3A_57, %mul3A_55 : i32
      %dma_start3A_59 = tpu.memref_slice %arg3[%add3A_58] : memref<6400000xi32, #tpu.memory_space<hbm>> -> memref<1024xi32, #tpu.memory_space<hbm>>
      %dma_start3A_60 = tpu.memref_slice %arg3[%add3A_58] : memref<6400000xi32, #tpu.memory_space<hbm>> -> memref<1024xi32, #tpu.memory_space<hbm>>
      tpu.enqueue_dma source(%dma_start3A_60 : memref<1024xi32, #tpu.memory_space<hbm>>) target(%arg8 : memref<1024xi32, #tpu.memory_space<vmem>>) target_semaphore(%arg14 : memref<!tpu.dma_semaphore, #tpu.memory_space<semaphore_mem>>)
      %dma_wait3A = arith.constant 0 : i32
      %dma_wait3A_61 = tpu.memref_slice %arg3[%dma_wait3A] : memref<6400000xi32, #tpu.memory_space<hbm>> -> memref<1024xi32, #tpu.memory_space<hbm>>
      %dma_wait3A_62 = arith.constant 0 : i32
      %dma_wait3A_63 = tpu.memref_slice %arg3[%dma_wait3A_62] : memref<6400000xi32, #tpu.memory_space<hbm>> -> memref<1024xi32, #tpu.memory_space<hbm>>
      tpu.wait_dma2 semaphore(%arg14 : memref<!tpu.dma_semaphore, #tpu.memory_space<semaphore_mem>>) src(%dma_wait3A_63 : memref<1024xi32, #tpu.memory_space<hbm>>) dst(%arg6 : memref<1024xi32, #tpu.memory_space<vmem>>)
      %dma_wait3A_64 = arith.constant 0 : i32
      %dma_wait3A_65 = tpu.memref_slice %arg3[%dma_wait3A_64] : memref<6400000xi32, #tpu.memory_space<hbm>> -> memref<1024xi32, #tpu.memory_space<hbm>>
      %dma_wait3A_66 = arith.constant 0 : i32
      %dma_wait3A_67 = tpu.memref_slice %arg3[%dma_wait3A_66] : memref<6400000xi32, #tpu.memory_space<hbm>> -> memref<1024xi32, #tpu.memory_space<hbm>>
      tpu.wait_dma2 semaphore(%arg14 : memref<!tpu.dma_semaphore, #tpu.memory_space<semaphore_mem>>) src(%dma_wait3A_67 : memref<1024xi32, #tpu.memory_space<hbm>>) dst(%arg8 : memref<1024xi32, #tpu.memory_space<vmem>>)
      %dma_start3A_68 = arith.constant 0 : i32
      %dma_start3A_69 = arith.constant 0 : i32
      %dma_start3A_70 = tpu.memref_slice %arg2[%dma_start3A_68, %dma_start3A_69] : memref<100352x8xf32, #tpu.memory_space<hbm>> -> memref<100352x8xf32, #tpu.memory_space<hbm>>
      tpu.enqueue_indirect_dma source(%dma_start3A_70 : memref<100352x8xf32, #tpu.memory_space<hbm>>) target(%arg10 : memref<1024x8xf32, #tpu.memory_space<vmem>>) offsets(%arg6 : memref<1024xi32, #tpu.memory_space<vmem>>) semaphore(%arg16 : memref<!tpu.dma_semaphore, #tpu.memory_space<semaphore_mem>>)
    } else {
    }
    %add3A_16 = arith.constant 1 : i32
    %add3A_17 = arith.addi %add3A_13, %add3A_16 : i32
    %jit3A_18 = arith.constant 2 : i32
    %div3A = arith.divsi %add3A_17, %jit3A_18 : i32
    %sign3A = arith.constant 0 : i32
    %sign3A_19 = arith.cmpi sgt, %add3A_17, %sign3A : i32
    %sign3A_20 = arith.extui %sign3A_19 : i1 to i32
    %sign3A_21 = arith.constant 0 : i32
    %sign3A_22 = arith.cmpi slt, %add3A_17, %sign3A_21 : i32
    %sign3A_23 = arith.extui %sign3A_22 : i1 to i32
    %sign3A_24 = arith.subi %sign3A_20, %sign3A_23 : i32
    %sign3A_25 = arith.constant 0 : i32
    %sign3A_26 = arith.cmpi sgt, %jit3A_18, %sign3A_25 : i32
    %sign3A_27 = arith.extui %sign3A_26 : i1 to i32
    %sign3A_28 = arith.constant 0 : i32
    %sign3A_29 = arith.cmpi slt, %jit3A_18, %sign3A_28 : i32
    %sign3A_30 = arith.extui %sign3A_29 : i1 to i32
    %sign3A_31 = arith.subi %sign3A_27, %sign3A_30 : i32
    %ne3A = arith.cmpi ne, %sign3A_24, %sign3A_31 : i32
    %rem3A = arith.remsi %add3A_17, %jit3A_18 : i32
    %ne3A_32 = arith.constant 0 : i32
    %ne3A_33 = arith.cmpi ne, %rem3A, %ne3A_32 : i32
    %and3A = arith.andi %ne3A, %ne3A_33 : i1
    %sub3A = arith.constant 1 : i32
    %sub3A_34 = arith.subi %div3A, %sub3A : i32
    %select_n3A_35 = arith.select %and3A, %sub3A_34, %div3A : i32
    %while3A = arith.constant 0 : i32
    %while3A_36 = arith.constant 0 : i32
    %while3A_37 = arith.subi %select_n3A_35, %while3A_36 : i32
    %while3A_38 = arith.addi %while3A_36, %while3A_37 : i32
    %while3A_39 = arith.constant 1 : i32
    %while3A_40 = arith.divsi %while3A_37, %while3A_39 : i32
    %while3A_41 = arith.muli %while3A_40, %while3A_39 : i32
    %while3A_42 = arith.addi %while3A_36, %while3A_41 : i32
    %while3A_43 = arith.constant 1 : i32
    scf.for %while3A_52 = %while3A_36 to %while3A_42 step %while3A_43  : i32 {
      %mul3A_53 = arith.constant 2 : i32
      %mul3A_54 = arith.muli %mul3A_53, %while3A_52 : i32
      %add3A_55 = arith.constant 1 : i32
      %add3A_56 = arith.addi %mul3A_54, %add3A_55 : i32
      %mul3A_57 = arith.constant 2 : i32
      %mul3A_58 = arith.muli %mul3A_57, %while3A_52 : i32
      %add3A_59 = arith.constant 2 : i32
      %add3A_60 = arith.addi %mul3A_58, %add3A_59 : i32
      %lt3A_61 = arith.cmpi slt, %add3A_56, %add3A_13 : i32
      %convert_element_type3A_62 = arith.extui %lt3A_61 : i1 to i32
      %cond3A_63 = arith.constant 0 : i32
      %cond3A_64 = arith.cmpi ne, %convert_element_type3A_62, %cond3A_63 : i32
      scf.if %cond3A_64 {
        %add3A_98 = arith.addi %add3A_9, %add3A_56 : i32
        %mul3A_99 = arith.constant 1024 : i32
        %mul3A_100 = arith.muli %add3A_98, %mul3A_99 : i32
        %dma_start3A_101 = tpu.memref_slice %arg3[%mul3A_100] : memref<6400000xi32, #tpu.memory_space<hbm>> -> memref<1024xi32, #tpu.memory_space<hbm>>
        %dma_start3A_102 = tpu.memref_slice %arg3[%mul3A_100] : memref<6400000xi32, #tpu.memory_space<hbm>> -> memref<1024xi32, #tpu.memory_space<hbm>>
        tpu.enqueue_dma source(%dma_start3A_102 : memref<1024xi32, #tpu.memory_space<hbm>>) target(%arg7 : memref<1024xi32, #tpu.memory_space<vmem>>) target_semaphore(%arg15 : memref<!tpu.dma_semaphore, #tpu.memory_space<semaphore_mem>>)
        %add3A_103 = arith.constant 3200000 : i32
        %add3A_104 = arith.addi %add3A_103, %mul3A_100 : i32
        %dma_start3A_105 = tpu.memref_slice %arg3[%add3A_104] : memref<6400000xi32, #tpu.memory_space<hbm>> -> memref<1024xi32, #tpu.memory_space<hbm>>
        %dma_start3A_106 = tpu.memref_slice %arg3[%add3A_104] : memref<6400000xi32, #tpu.memory_space<hbm>> -> memref<1024xi32, #tpu.memory_space<hbm>>
        tpu.enqueue_dma source(%dma_start3A_106 : memref<1024xi32, #tpu.memory_space<hbm>>) target(%arg9 : memref<1024xi32, #tpu.memory_space<vmem>>) target_semaphore(%arg15 : memref<!tpu.dma_semaphore, #tpu.memory_space<semaphore_mem>>)
      } else {
      }
      %dma_wait3A = arith.constant 0 : i32
      %dma_wait3A_65 = arith.constant 0 : i32
      %dma_wait3A_66 = tpu.memref_slice %arg2[%dma_wait3A, %dma_wait3A_65] : memref<100352x8xf32, #tpu.memory_space<hbm>> -> memref<1024x8xf32, #tpu.memory_space<hbm>>
      %dma_wait3A_67 = arith.constant 0 : i32
      %dma_wait3A_68 = arith.constant 0 : i32
      %dma_wait3A_69 = tpu.memref_slice %arg2[%dma_wait3A_67, %dma_wait3A_68] : memref<100352x8xf32, #tpu.memory_space<hbm>> -> memref<1024x8xf32, #tpu.memory_space<hbm>>
      tpu.wait_dma2 semaphore(%arg16 : memref<!tpu.dma_semaphore, #tpu.memory_space<semaphore_mem>>) src(%dma_wait3A_69 : memref<1024x8xf32, #tpu.memory_space<hbm>>) dst(%arg10 : memref<1024x8xf32, #tpu.memory_space<vmem>>)
      %dma_start3A = arith.constant 0 : i32
      %dma_start3A_70 = arith.constant 0 : i32
      %dma_start3A_71 = tpu.memref_slice %arg13[%dma_start3A, %dma_start3A_70] : memref<100352x8xf32, #tpu.memory_space<vmem_shared>> -> memref<100352x8xf32, #tpu.memory_space<vmem_shared>>
      tpu.enqueue_indirect_dma source(%arg10 : memref<1024x8xf32, #tpu.memory_space<vmem>>) target(%dma_start3A_71 : memref<100352x8xf32, #tpu.memory_space<vmem_shared>>) offsets(%arg8 : memref<1024xi32, #tpu.memory_space<vmem>>) semaphore(%arg18 : memref<!tpu.dma_semaphore, #tpu.memory_space<semaphore_mem>>) {add = true}
      %lt3A_72 = arith.cmpi slt, %add3A_56, %add3A_13 : i32
      %convert_element_type3A_73 = arith.extui %lt3A_72 : i1 to i32
      %cond3A_74 = arith.constant 0 : i32
      %cond3A_75 = arith.cmpi ne, %convert_element_type3A_73, %cond3A_74 : i32
      scf.if %cond3A_75 {
        %dma_wait3A_98 = arith.constant 0 : i32
        %dma_wait3A_99 = tpu.memref_slice %arg3[%dma_wait3A_98] : memref<6400000xi32, #tpu.memory_space<hbm>> -> memref<1024xi32, #tpu.memory_space<hbm>>
        %dma_wait3A_100 = arith.constant 0 : i32
        %dma_wait3A_101 = tpu.memref_slice %arg3[%dma_wait3A_100] : memref<6400000xi32, #tpu.memory_space<hbm>> -> memref<1024xi32, #tpu.memory_space<hbm>>
        tpu.wait_dma2 semaphore(%arg15 : memref<!tpu.dma_semaphore, #tpu.memory_space<semaphore_mem>>) src(%dma_wait3A_101 : memref<1024xi32, #tpu.memory_space<hbm>>) dst(%arg7 : memref<1024xi32, #tpu.memory_space<vmem>>)
        %dma_wait3A_102 = arith.constant 0 : i32
        %dma_wait3A_103 = tpu.memref_slice %arg3[%dma_wait3A_102] : memref<6400000xi32, #tpu.memory_space<hbm>> -> memref<1024xi32, #tpu.memory_space<hbm>>
        %dma_wait3A_104 = arith.constant 0 : i32
        %dma_wait3A_105 = tpu.memref_slice %arg3[%dma_wait3A_104] : memref<6400000xi32, #tpu.memory_space<hbm>> -> memref<1024xi32, #tpu.memory_space<hbm>>
        tpu.wait_dma2 semaphore(%arg15 : memref<!tpu.dma_semaphore, #tpu.memory_space<semaphore_mem>>) src(%dma_wait3A_105 : memref<1024xi32, #tpu.memory_space<hbm>>) dst(%arg9 : memref<1024xi32, #tpu.memory_space<vmem>>)
        %dma_start3A_106 = arith.constant 0 : i32
        %dma_start3A_107 = arith.constant 0 : i32
        %dma_start3A_108 = tpu.memref_slice %arg2[%dma_start3A_106, %dma_start3A_107] : memref<100352x8xf32, #tpu.memory_space<hbm>> -> memref<100352x8xf32, #tpu.memory_space<hbm>>
        tpu.enqueue_indirect_dma source(%dma_start3A_108 : memref<100352x8xf32, #tpu.memory_space<hbm>>) target(%arg11 : memref<1024x8xf32, #tpu.memory_space<vmem>>) offsets(%arg7 : memref<1024xi32, #tpu.memory_space<vmem>>) semaphore(%arg17 : memref<!tpu.dma_semaphore, #tpu.memory_space<semaphore_mem>>)
      } else {
      }
      %lt3A_76 = arith.cmpi slt, %add3A_60, %add3A_13 : i32
      %convert_element_type3A_77 = arith.extui %lt3A_76 : i1 to i32
      %cond3A_78 = arith.constant 0 : i32
      %cond3A_79 = arith.cmpi ne, %convert_element_type3A_77, %cond3A_78 : i32
      scf.if %cond3A_79 {
        %add3A_98 = arith.addi %add3A_9, %add3A_60 : i32
        %mul3A_99 = arith.constant 1024 : i32
        %mul3A_100 = arith.muli %add3A_98, %mul3A_99 : i32
        %dma_start3A_101 = tpu.memref_slice %arg3[%mul3A_100] : memref<6400000xi32, #tpu.memory_space<hbm>> -> memref<1024xi32, #tpu.memory_space<hbm>>
        %dma_start3A_102 = tpu.memref_slice %arg3[%mul3A_100] : memref<6400000xi32, #tpu.memory_space<hbm>> -> memref<1024xi32, #tpu.memory_space<hbm>>
        tpu.enqueue_dma source(%dma_start3A_102 : memref<1024xi32, #tpu.memory_space<hbm>>) target(%arg6 : memref<1024xi32, #tpu.memory_space<vmem>>) target_semaphore(%arg14 : memref<!tpu.dma_semaphore, #tpu.memory_space<semaphore_mem>>)
        %add3A_103 = arith.constant 3200000 : i32
        %add3A_104 = arith.addi %add3A_103, %mul3A_100 : i32
        %dma_start3A_105 = tpu.memref_slice %arg3[%add3A_104] : memref<6400000xi32, #tpu.memory_space<hbm>> -> memref<1024xi32, #tpu.memory_space<hbm>>
        %dma_start3A_106 = tpu.memref_slice %arg3[%add3A_104] : memref<6400000xi32, #tpu.memory_space<hbm>> -> memref<1024xi32, #tpu.memory_space<hbm>>
        tpu.enqueue_dma source(%dma_start3A_106 : memref<1024xi32, #tpu.memory_space<hbm>>) target(%arg8 : memref<1024xi32, #tpu.memory_space<vmem>>) target_semaphore(%arg14 : memref<!tpu.dma_semaphore, #tpu.memory_space<semaphore_mem>>)
      } else {
      }
      %dma_wait3A_80 = arith.constant 0 : i32
      %dma_wait3A_81 = arith.constant 0 : i32
      %dma_wait3A_82 = tpu.memref_slice %arg13[%dma_wait3A_80, %dma_wait3A_81] : memref<100352x8xf32, #tpu.memory_space<vmem_shared>> -> memref<1024x8xf32, #tpu.memory_space<vmem_shared>>
      %dma_wait3A_83 = arith.constant 0 : i32
      %dma_wait3A_84 = arith.constant 0 : i32
      %dma_wait3A_85 = tpu.memref_slice %arg13[%dma_wait3A_83, %dma_wait3A_84] : memref<100352x8xf32, #tpu.memory_space<vmem_shared>> -> memref<1024x8xf32, #tpu.memory_space<vmem_shared>>
      tpu.wait_dma2 semaphore(%arg18 : memref<!tpu.dma_semaphore, #tpu.memory_space<semaphore_mem>>) src(%arg10 : memref<1024x8xf32, #tpu.memory_space<vmem>>) dst(%dma_wait3A_85 : memref<1024x8xf32, #tpu.memory_space<vmem_shared>>)
      %lt3A_86 = arith.cmpi slt, %add3A_56, %add3A_13 : i32
      %convert_element_type3A_87 = arith.extui %lt3A_86 : i1 to i32
      %cond3A_88 = arith.constant 0 : i32
      %cond3A_89 = arith.cmpi ne, %convert_element_type3A_87, %cond3A_88 : i32
      scf.if %cond3A_89 {
        %dma_wait3A_98 = arith.constant 0 : i32
        %dma_wait3A_99 = arith.constant 0 : i32
        %dma_wait3A_100 = tpu.memref_slice %arg2[%dma_wait3A_98, %dma_wait3A_99] : memref<100352x8xf32, #tpu.memory_space<hbm>> -> memref<1024x8xf32, #tpu.memory_space<hbm>>
        %dma_wait3A_101 = arith.constant 0 : i32
        %dma_wait3A_102 = arith.constant 0 : i32
        %dma_wait3A_103 = tpu.memref_slice %arg2[%dma_wait3A_101, %dma_wait3A_102] : memref<100352x8xf32, #tpu.memory_space<hbm>> -> memref<1024x8xf32, #tpu.memory_space<hbm>>
        tpu.wait_dma2 semaphore(%arg17 : memref<!tpu.dma_semaphore, #tpu.memory_space<semaphore_mem>>) src(%dma_wait3A_103 : memref<1024x8xf32, #tpu.memory_space<hbm>>) dst(%arg11 : memref<1024x8xf32, #tpu.memory_space<vmem>>)
        %dma_start3A_104 = arith.constant 0 : i32
        %dma_start3A_105 = arith.constant 0 : i32
        %dma_start3A_106 = tpu.memref_slice %arg13[%dma_start3A_104, %dma_start3A_105] : memref<100352x8xf32, #tpu.memory_space<vmem_shared>> -> memref<100352x8xf32, #tpu.memory_space<vmem_shared>>
        tpu.enqueue_indirect_dma source(%arg11 : memref<1024x8xf32, #tpu.memory_space<vmem>>) target(%dma_start3A_106 : memref<100352x8xf32, #tpu.memory_space<vmem_shared>>) offsets(%arg9 : memref<1024xi32, #tpu.memory_space<vmem>>) semaphore(%arg19 : memref<!tpu.dma_semaphore, #tpu.memory_space<semaphore_mem>>) {add = true}
      } else {
      }
      %lt3A_90 = arith.cmpi slt, %add3A_60, %add3A_13 : i32
      %convert_element_type3A_91 = arith.extui %lt3A_90 : i1 to i32
      %cond3A_92 = arith.constant 0 : i32
      %cond3A_93 = arith.cmpi ne, %convert_element_type3A_91, %cond3A_92 : i32
      scf.if %cond3A_93 {
        %dma_wait3A_98 = arith.constant 0 : i32
        %dma_wait3A_99 = tpu.memref_slice %arg3[%dma_wait3A_98] : memref<6400000xi32, #tpu.memory_space<hbm>> -> memref<1024xi32, #tpu.memory_space<hbm>>
        %dma_wait3A_100 = arith.constant 0 : i32
        %dma_wait3A_101 = tpu.memref_slice %arg3[%dma_wait3A_100] : memref<6400000xi32, #tpu.memory_space<hbm>> -> memref<1024xi32, #tpu.memory_space<hbm>>
        tpu.wait_dma2 semaphore(%arg14 : memref<!tpu.dma_semaphore, #tpu.memory_space<semaphore_mem>>) src(%dma_wait3A_101 : memref<1024xi32, #tpu.memory_space<hbm>>) dst(%arg6 : memref<1024xi32, #tpu.memory_space<vmem>>)
        %dma_wait3A_102 = arith.constant 0 : i32
        %dma_wait3A_103 = tpu.memref_slice %arg3[%dma_wait3A_102] : memref<6400000xi32, #tpu.memory_space<hbm>> -> memref<1024xi32, #tpu.memory_space<hbm>>
        %dma_wait3A_104 = arith.constant 0 : i32
        %dma_wait3A_105 = tpu.memref_slice %arg3[%dma_wait3A_104] : memref<6400000xi32, #tpu.memory_space<hbm>> -> memref<1024xi32, #tpu.memory_space<hbm>>
        tpu.wait_dma2 semaphore(%arg14 : memref<!tpu.dma_semaphore, #tpu.memory_space<semaphore_mem>>) src(%dma_wait3A_105 : memref<1024xi32, #tpu.memory_space<hbm>>) dst(%arg8 : memref<1024xi32, #tpu.memory_space<vmem>>)
        %dma_start3A_106 = arith.constant 0 : i32
        %dma_start3A_107 = arith.constant 0 : i32
        %dma_start3A_108 = tpu.memref_slice %arg2[%dma_start3A_106, %dma_start3A_107] : memref<100352x8xf32, #tpu.memory_space<hbm>> -> memref<100352x8xf32, #tpu.memory_space<hbm>>
        tpu.enqueue_indirect_dma source(%dma_start3A_108 : memref<100352x8xf32, #tpu.memory_space<hbm>>) target(%arg10 : memref<1024x8xf32, #tpu.memory_space<vmem>>) offsets(%arg6 : memref<1024xi32, #tpu.memory_space<vmem>>) semaphore(%arg16 : memref<!tpu.dma_semaphore, #tpu.memory_space<semaphore_mem>>)
      } else {
      }
      %lt3A_94 = arith.cmpi slt, %add3A_56, %add3A_13 : i32
      %convert_element_type3A_95 = arith.extui %lt3A_94 : i1 to i32
      %cond3A_96 = arith.constant 0 : i32
      %cond3A_97 = arith.cmpi ne, %convert_element_type3A_95, %cond3A_96 : i32
      scf.if %cond3A_97 {
        %dma_wait3A_98 = arith.constant 0 : i32
        %dma_wait3A_99 = arith.constant 0 : i32
        %dma_wait3A_100 = tpu.memref_slice %arg13[%dma_wait3A_98, %dma_wait3A_99] : memref<100352x8xf32, #tpu.memory_space<vmem_shared>> -> memref<1024x8xf32, #tpu.memory_space<vmem_shared>>
        %dma_wait3A_101 = arith.constant 0 : i32
        %dma_wait3A_102 = arith.constant 0 : i32
        %dma_wait3A_103 = tpu.memref_slice %arg13[%dma_wait3A_101, %dma_wait3A_102] : memref<100352x8xf32, #tpu.memory_space<vmem_shared>> -> memref<1024x8xf32, #tpu.memory_space<vmem_shared>>
        tpu.wait_dma2 semaphore(%arg19 : memref<!tpu.dma_semaphore, #tpu.memory_space<semaphore_mem>>) src(%arg11 : memref<1024x8xf32, #tpu.memory_space<vmem>>) dst(%dma_wait3A_103 : memref<1024x8xf32, #tpu.memory_space<vmem_shared>>)
      } else {
      }
    }
    %while3A_44 = arith.constant 1 : i32
    scf.for %while3A_52 = %while3A_42 to %while3A_38 step %while3A_44  : i32 {
      %mul3A_53 = arith.constant 2 : i32
      %mul3A_54 = arith.muli %mul3A_53, %while3A_52 : i32
      %add3A_55 = arith.constant 1 : i32
      %add3A_56 = arith.addi %mul3A_54, %add3A_55 : i32
      %mul3A_57 = arith.constant 2 : i32
      %mul3A_58 = arith.muli %mul3A_57, %while3A_52 : i32
      %add3A_59 = arith.constant 2 : i32
      %add3A_60 = arith.addi %mul3A_58, %add3A_59 : i32
      %lt3A_61 = arith.cmpi slt, %add3A_56, %add3A_13 : i32
      %convert_element_type3A_62 = arith.extui %lt3A_61 : i1 to i32
      %cond3A_63 = arith.constant 0 : i32
      %cond3A_64 = arith.cmpi ne, %convert_element_type3A_62, %cond3A_63 : i32
      scf.if %cond3A_64 {
        %add3A_98 = arith.addi %add3A_9, %add3A_56 : i32
        %mul3A_99 = arith.constant 1024 : i32
        %mul3A_100 = arith.muli %add3A_98, %mul3A_99 : i32
        %dma_start3A_101 = tpu.memref_slice %arg3[%mul3A_100] : memref<6400000xi32, #tpu.memory_space<hbm>> -> memref<1024xi32, #tpu.memory_space<hbm>>
        %dma_start3A_102 = tpu.memref_slice %arg3[%mul3A_100] : memref<6400000xi32, #tpu.memory_space<hbm>> -> memref<1024xi32, #tpu.memory_space<hbm>>
        tpu.enqueue_dma source(%dma_start3A_102 : memref<1024xi32, #tpu.memory_space<hbm>>) target(%arg7 : memref<1024xi32, #tpu.memory_space<vmem>>) target_semaphore(%arg15 : memref<!tpu.dma_semaphore, #tpu.memory_space<semaphore_mem>>)
        %add3A_103 = arith.constant 3200000 : i32
        %add3A_104 = arith.addi %add3A_103, %mul3A_100 : i32
        %dma_start3A_105 = tpu.memref_slice %arg3[%add3A_104] : memref<6400000xi32, #tpu.memory_space<hbm>> -> memref<1024xi32, #tpu.memory_space<hbm>>
        %dma_start3A_106 = tpu.memref_slice %arg3[%add3A_104] : memref<6400000xi32, #tpu.memory_space<hbm>> -> memref<1024xi32, #tpu.memory_space<hbm>>
        tpu.enqueue_dma source(%dma_start3A_106 : memref<1024xi32, #tpu.memory_space<hbm>>) target(%arg9 : memref<1024xi32, #tpu.memory_space<vmem>>) target_semaphore(%arg15 : memref<!tpu.dma_semaphore, #tpu.memory_space<semaphore_mem>>)
      } else {
      }
      %dma_wait3A = arith.constant 0 : i32
      %dma_wait3A_65 = arith.constant 0 : i32
      %dma_wait3A_66 = tpu.memref_slice %arg2[%dma_wait3A, %dma_wait3A_65] : memref<100352x8xf32, #tpu.memory_space<hbm>> -> memref<1024x8xf32, #tpu.memory_space<hbm>>
      %dma_wait3A_67 = arith.constant 0 : i32
      %dma_wait3A_68 = arith.constant 0 : i32
      %dma_wait3A_69 = tpu.memref_slice %arg2[%dma_wait3A_67, %dma_wait3A_68] : memref<100352x8xf32, #tpu.memory_space<hbm>> -> memref<1024x8xf32, #tpu.memory_space<hbm>>
      tpu.wait_dma2 semaphore(%arg16 : memref<!tpu.dma_semaphore, #tpu.memory_space<semaphore_mem>>) src(%dma_wait3A_69 : memref<1024x8xf32, #tpu.memory_space<hbm>>) dst(%arg10 : memref<1024x8xf32, #tpu.memory_space<vmem>>)
      %dma_start3A = arith.constant 0 : i32
      %dma_start3A_70 = arith.constant 0 : i32
      %dma_start3A_71 = tpu.memref_slice %arg13[%dma_start3A, %dma_start3A_70] : memref<100352x8xf32, #tpu.memory_space<vmem_shared>> -> memref<100352x8xf32, #tpu.memory_space<vmem_shared>>
      tpu.enqueue_indirect_dma source(%arg10 : memref<1024x8xf32, #tpu.memory_space<vmem>>) target(%dma_start3A_71 : memref<100352x8xf32, #tpu.memory_space<vmem_shared>>) offsets(%arg8 : memref<1024xi32, #tpu.memory_space<vmem>>) semaphore(%arg18 : memref<!tpu.dma_semaphore, #tpu.memory_space<semaphore_mem>>) {add = true}
      %lt3A_72 = arith.cmpi slt, %add3A_56, %add3A_13 : i32
      %convert_element_type3A_73 = arith.extui %lt3A_72 : i1 to i32
      %cond3A_74 = arith.constant 0 : i32
      %cond3A_75 = arith.cmpi ne, %convert_element_type3A_73, %cond3A_74 : i32
      scf.if %cond3A_75 {
        %dma_wait3A_98 = arith.constant 0 : i32
        %dma_wait3A_99 = tpu.memref_slice %arg3[%dma_wait3A_98] : memref<6400000xi32, #tpu.memory_space<hbm>> -> memref<1024xi32, #tpu.memory_space<hbm>>
        %dma_wait3A_100 = arith.constant 0 : i32
        %dma_wait3A_101 = tpu.memref_slice %arg3[%dma_wait3A_100] : memref<6400000xi32, #tpu.memory_space<hbm>> -> memref<1024xi32, #tpu.memory_space<hbm>>
        tpu.wait_dma2 semaphore(%arg15 : memref<!tpu.dma_semaphore, #tpu.memory_space<semaphore_mem>>) src(%dma_wait3A_101 : memref<1024xi32, #tpu.memory_space<hbm>>) dst(%arg7 : memref<1024xi32, #tpu.memory_space<vmem>>)
        %dma_wait3A_102 = arith.constant 0 : i32
        %dma_wait3A_103 = tpu.memref_slice %arg3[%dma_wait3A_102] : memref<6400000xi32, #tpu.memory_space<hbm>> -> memref<1024xi32, #tpu.memory_space<hbm>>
        %dma_wait3A_104 = arith.constant 0 : i32
        %dma_wait3A_105 = tpu.memref_slice %arg3[%dma_wait3A_104] : memref<6400000xi32, #tpu.memory_space<hbm>> -> memref<1024xi32, #tpu.memory_space<hbm>>
        tpu.wait_dma2 semaphore(%arg15 : memref<!tpu.dma_semaphore, #tpu.memory_space<semaphore_mem>>) src(%dma_wait3A_105 : memref<1024xi32, #tpu.memory_space<hbm>>) dst(%arg9 : memref<1024xi32, #tpu.memory_space<vmem>>)
        %dma_start3A_106 = arith.constant 0 : i32
        %dma_start3A_107 = arith.constant 0 : i32
        %dma_start3A_108 = tpu.memref_slice %arg2[%dma_start3A_106, %dma_start3A_107] : memref<100352x8xf32, #tpu.memory_space<hbm>> -> memref<100352x8xf32, #tpu.memory_space<hbm>>
        tpu.enqueue_indirect_dma source(%dma_start3A_108 : memref<100352x8xf32, #tpu.memory_space<hbm>>) target(%arg11 : memref<1024x8xf32, #tpu.memory_space<vmem>>) offsets(%arg7 : memref<1024xi32, #tpu.memory_space<vmem>>) semaphore(%arg17 : memref<!tpu.dma_semaphore, #tpu.memory_space<semaphore_mem>>)
      } else {
      }
      %lt3A_76 = arith.cmpi slt, %add3A_60, %add3A_13 : i32
      %convert_element_type3A_77 = arith.extui %lt3A_76 : i1 to i32
      %cond3A_78 = arith.constant 0 : i32
      %cond3A_79 = arith.cmpi ne, %convert_element_type3A_77, %cond3A_78 : i32
      scf.if %cond3A_79 {
        %add3A_98 = arith.addi %add3A_9, %add3A_60 : i32
        %mul3A_99 = arith.constant 1024 : i32
        %mul3A_100 = arith.muli %add3A_98, %mul3A_99 : i32
        %dma_start3A_101 = tpu.memref_slice %arg3[%mul3A_100] : memref<6400000xi32, #tpu.memory_space<hbm>> -> memref<1024xi32, #tpu.memory_space<hbm>>
        %dma_start3A_102 = tpu.memref_slice %arg3[%mul3A_100] : memref<6400000xi32, #tpu.memory_space<hbm>> -> memref<1024xi32, #tpu.memory_space<hbm>>
        tpu.enqueue_dma source(%dma_start3A_102 : memref<1024xi32, #tpu.memory_space<hbm>>) target(%arg6 : memref<1024xi32, #tpu.memory_space<vmem>>) target_semaphore(%arg14 : memref<!tpu.dma_semaphore, #tpu.memory_space<semaphore_mem>>)
        %add3A_103 = arith.constant 3200000 : i32
        %add3A_104 = arith.addi %add3A_103, %mul3A_100 : i32
        %dma_start3A_105 = tpu.memref_slice %arg3[%add3A_104] : memref<6400000xi32, #tpu.memory_space<hbm>> -> memref<1024xi32, #tpu.memory_space<hbm>>
        %dma_start3A_106 = tpu.memref_slice %arg3[%add3A_104] : memref<6400000xi32, #tpu.memory_space<hbm>> -> memref<1024xi32, #tpu.memory_space<hbm>>
        tpu.enqueue_dma source(%dma_start3A_106 : memref<1024xi32, #tpu.memory_space<hbm>>) target(%arg8 : memref<1024xi32, #tpu.memory_space<vmem>>) target_semaphore(%arg14 : memref<!tpu.dma_semaphore, #tpu.memory_space<semaphore_mem>>)
      } else {
      }
      %dma_wait3A_80 = arith.constant 0 : i32
      %dma_wait3A_81 = arith.constant 0 : i32
      %dma_wait3A_82 = tpu.memref_slice %arg13[%dma_wait3A_80, %dma_wait3A_81] : memref<100352x8xf32, #tpu.memory_space<vmem_shared>> -> memref<1024x8xf32, #tpu.memory_space<vmem_shared>>
      %dma_wait3A_83 = arith.constant 0 : i32
      %dma_wait3A_84 = arith.constant 0 : i32
      %dma_wait3A_85 = tpu.memref_slice %arg13[%dma_wait3A_83, %dma_wait3A_84] : memref<100352x8xf32, #tpu.memory_space<vmem_shared>> -> memref<1024x8xf32, #tpu.memory_space<vmem_shared>>
      tpu.wait_dma2 semaphore(%arg18 : memref<!tpu.dma_semaphore, #tpu.memory_space<semaphore_mem>>) src(%arg10 : memref<1024x8xf32, #tpu.memory_space<vmem>>) dst(%dma_wait3A_85 : memref<1024x8xf32, #tpu.memory_space<vmem_shared>>)
      %lt3A_86 = arith.cmpi slt, %add3A_56, %add3A_13 : i32
      %convert_element_type3A_87 = arith.extui %lt3A_86 : i1 to i32
      %cond3A_88 = arith.constant 0 : i32
      %cond3A_89 = arith.cmpi ne, %convert_element_type3A_87, %cond3A_88 : i32
      scf.if %cond3A_89 {
        %dma_wait3A_98 = arith.constant 0 : i32
        %dma_wait3A_99 = arith.constant 0 : i32
        %dma_wait3A_100 = tpu.memref_slice %arg2[%dma_wait3A_98, %dma_wait3A_99] : memref<100352x8xf32, #tpu.memory_space<hbm>> -> memref<1024x8xf32, #tpu.memory_space<hbm>>
        %dma_wait3A_101 = arith.constant 0 : i32
        %dma_wait3A_102 = arith.constant 0 : i32
        %dma_wait3A_103 = tpu.memref_slice %arg2[%dma_wait3A_101, %dma_wait3A_102] : memref<100352x8xf32, #tpu.memory_space<hbm>> -> memref<1024x8xf32, #tpu.memory_space<hbm>>
        tpu.wait_dma2 semaphore(%arg17 : memref<!tpu.dma_semaphore, #tpu.memory_space<semaphore_mem>>) src(%dma_wait3A_103 : memref<1024x8xf32, #tpu.memory_space<hbm>>) dst(%arg11 : memref<1024x8xf32, #tpu.memory_space<vmem>>)
        %dma_start3A_104 = arith.constant 0 : i32
        %dma_start3A_105 = arith.constant 0 : i32
        %dma_start3A_106 = tpu.memref_slice %arg13[%dma_start3A_104, %dma_start3A_105] : memref<100352x8xf32, #tpu.memory_space<vmem_shared>> -> memref<100352x8xf32, #tpu.memory_space<vmem_shared>>
        tpu.enqueue_indirect_dma source(%arg11 : memref<1024x8xf32, #tpu.memory_space<vmem>>) target(%dma_start3A_106 : memref<100352x8xf32, #tpu.memory_space<vmem_shared>>) offsets(%arg9 : memref<1024xi32, #tpu.memory_space<vmem>>) semaphore(%arg19 : memref<!tpu.dma_semaphore, #tpu.memory_space<semaphore_mem>>) {add = true}
      } else {
      }
      %lt3A_90 = arith.cmpi slt, %add3A_60, %add3A_13 : i32
      %convert_element_type3A_91 = arith.extui %lt3A_90 : i1 to i32
      %cond3A_92 = arith.constant 0 : i32
      %cond3A_93 = arith.cmpi ne, %convert_element_type3A_91, %cond3A_92 : i32
      scf.if %cond3A_93 {
        %dma_wait3A_98 = arith.constant 0 : i32
        %dma_wait3A_99 = tpu.memref_slice %arg3[%dma_wait3A_98] : memref<6400000xi32, #tpu.memory_space<hbm>> -> memref<1024xi32, #tpu.memory_space<hbm>>
        %dma_wait3A_100 = arith.constant 0 : i32
        %dma_wait3A_101 = tpu.memref_slice %arg3[%dma_wait3A_100] : memref<6400000xi32, #tpu.memory_space<hbm>> -> memref<1024xi32, #tpu.memory_space<hbm>>
        tpu.wait_dma2 semaphore(%arg14 : memref<!tpu.dma_semaphore, #tpu.memory_space<semaphore_mem>>) src(%dma_wait3A_101 : memref<1024xi32, #tpu.memory_space<hbm>>) dst(%arg6 : memref<1024xi32, #tpu.memory_space<vmem>>)
        %dma_wait3A_102 = arith.constant 0 : i32
        %dma_wait3A_103 = tpu.memref_slice %arg3[%dma_wait3A_102] : memref<6400000xi32, #tpu.memory_space<hbm>> -> memref<1024xi32, #tpu.memory_space<hbm>>
        %dma_wait3A_104 = arith.constant 0 : i32
        %dma_wait3A_105 = tpu.memref_slice %arg3[%dma_wait3A_104] : memref<6400000xi32, #tpu.memory_space<hbm>> -> memref<1024xi32, #tpu.memory_space<hbm>>
        tpu.wait_dma2 semaphore(%arg14 : memref<!tpu.dma_semaphore, #tpu.memory_space<semaphore_mem>>) src(%dma_wait3A_105 : memref<1024xi32, #tpu.memory_space<hbm>>) dst(%arg8 : memref<1024xi32, #tpu.memory_space<vmem>>)
        %dma_start3A_106 = arith.constant 0 : i32
        %dma_start3A_107 = arith.constant 0 : i32
        %dma_start3A_108 = tpu.memref_slice %arg2[%dma_start3A_106, %dma_start3A_107] : memref<100352x8xf32, #tpu.memory_space<hbm>> -> memref<100352x8xf32, #tpu.memory_space<hbm>>
        tpu.enqueue_indirect_dma source(%dma_start3A_108 : memref<100352x8xf32, #tpu.memory_space<hbm>>) target(%arg10 : memref<1024x8xf32, #tpu.memory_space<vmem>>) offsets(%arg6 : memref<1024xi32, #tpu.memory_space<vmem>>) semaphore(%arg16 : memref<!tpu.dma_semaphore, #tpu.memory_space<semaphore_mem>>)
      } else {
      }
      %lt3A_94 = arith.cmpi slt, %add3A_56, %add3A_13 : i32
      %convert_element_type3A_95 = arith.extui %lt3A_94 : i1 to i32
      %cond3A_96 = arith.constant 0 : i32
      %cond3A_97 = arith.cmpi ne, %convert_element_type3A_95, %cond3A_96 : i32
      scf.if %cond3A_97 {
        %dma_wait3A_98 = arith.constant 0 : i32
        %dma_wait3A_99 = arith.constant 0 : i32
        %dma_wait3A_100 = tpu.memref_slice %arg13[%dma_wait3A_98, %dma_wait3A_99] : memref<100352x8xf32, #tpu.memory_space<vmem_shared>> -> memref<1024x8xf32, #tpu.memory_space<vmem_shared>>
        %dma_wait3A_101 = arith.constant 0 : i32
        %dma_wait3A_102 = arith.constant 0 : i32
        %dma_wait3A_103 = tpu.memref_slice %arg13[%dma_wait3A_101, %dma_wait3A_102] : memref<100352x8xf32, #tpu.memory_space<vmem_shared>> -> memref<1024x8xf32, #tpu.memory_space<vmem_shared>>
        tpu.wait_dma2 semaphore(%arg19 : memref<!tpu.dma_semaphore, #tpu.memory_space<semaphore_mem>>) src(%arg11 : memref<1024x8xf32, #tpu.memory_space<vmem>>) dst(%dma_wait3A_103 : memref<1024x8xf32, #tpu.memory_space<vmem_shared>>)
      } else {
      }
    }
    %barrier3A_45 = arith.constant 0 : index
    tpu.barrier barrier_id(%barrier3A_45)
    %scan3A_46 = arith.constant 0 : i32
    %scan3A_47 = arith.constant 0 : i32
    %scan3A_48 = arith.constant 14 : i32
    %scan3A_49 = arith.addi %scan3A_47, %scan3A_48 : i32
    %scan3A_50 = arith.constant 1 : i32
    scf.for %scan3A_52 = %scan3A_47 to %scan3A_49 step %scan3A_50  : i32 {
      %mul3A_53 = arith.constant 6272 : i32
      %mul3A_54 = arith.muli %arg1, %mul3A_53 : i32
      %mul3A_55 = arith.constant 448 : i32
      %mul3A_56 = arith.muli %scan3A_52, %mul3A_55 : i32
      %add3A_57 = arith.addi %mul3A_54, %mul3A_56 : i32
      "tpu.region"() ({
        %run_scoped3A = tpu.sem_alloc : memref<!tpu.dma_semaphore, #tpu.memory_space<semaphore_mem>>
        %dma_start3A = arith.constant 0 : i32
        %dma_start3A_66 = tpu.memref_slice %arg13[%add3A_57, %dma_start3A] : memref<100352x8xf32, #tpu.memory_space<vmem_shared>> -> memref<448x8xf32, #tpu.memory_space<vmem_shared>>
        %dma_start3A_67 = arith.constant 0 : i32
        %dma_start3A_68 = tpu.memref_slice %arg13[%add3A_57, %dma_start3A_67] : memref<100352x8xf32, #tpu.memory_space<vmem_shared>> -> memref<448x8xf32, #tpu.memory_space<vmem_shared>>
        tpu.enqueue_dma source(%dma_start3A_68 : memref<448x8xf32, #tpu.memory_space<vmem_shared>>) target(%arg12 : memref<448x8xf32, #tpu.memory_space<vmem>>) target_semaphore(%run_scoped3A : memref<!tpu.dma_semaphore, #tpu.memory_space<semaphore_mem>>)
        %dma_wait3A = arith.constant 0 : i32
        %dma_wait3A_69 = tpu.memref_slice %arg13[%add3A_57, %dma_wait3A] : memref<100352x8xf32, #tpu.memory_space<vmem_shared>> -> memref<448x8xf32, #tpu.memory_space<vmem_shared>>
        %dma_wait3A_70 = arith.constant 0 : i32
        %dma_wait3A_71 = tpu.memref_slice %arg13[%add3A_57, %dma_wait3A_70] : memref<100352x8xf32, #tpu.memory_space<vmem_shared>> -> memref<448x8xf32, #tpu.memory_space<vmem_shared>>
        tpu.wait_dma2 semaphore(%run_scoped3A : memref<!tpu.dma_semaphore, #tpu.memory_space<semaphore_mem>>) src(%dma_wait3A_71 : memref<448x8xf32, #tpu.memory_space<vmem_shared>>) dst(%arg12 : memref<448x8xf32, #tpu.memory_space<vmem>>)
        tpu.yield
      }) : () -> ()
      %mul3A_58 = arith.constant 100352 : i32
      %mul3A_59 = arith.muli %arg0, %mul3A_58 : i32
      %mul3A_60 = arith.constant 6272 : i32
      %mul3A_61 = arith.muli %arg1, %mul3A_60 : i32
      %add3A_62 = arith.addi %mul3A_59, %mul3A_61 : i32
      %mul3A_63 = arith.constant 448 : i32
      %mul3A_64 = arith.muli %scan3A_52, %mul3A_63 : i32
      %add3A_65 = arith.addi %add3A_62, %mul3A_64 : i32
      "tpu.region"() ({
        %run_scoped3A = tpu.sem_alloc : memref<!tpu.dma_semaphore, #tpu.memory_space<semaphore_mem>>
        %dma_start3A = arith.constant 0 : i32
        %dma_start3A_66 = tpu.memref_slice %arg5[%add3A_65, %dma_start3A] : memref<200704x8xf32, #tpu.memory_space<hbm>> -> memref<448x8xf32, #tpu.memory_space<hbm>>
        %dma_start3A_67 = arith.constant 0 : i32
        %dma_start3A_68 = tpu.memref_slice %arg5[%add3A_65, %dma_start3A_67] : memref<200704x8xf32, #tpu.memory_space<hbm>> -> memref<448x8xf32, #tpu.memory_space<hbm>>
        tpu.enqueue_dma source(%arg12 : memref<448x8xf32, #tpu.memory_space<vmem>>) target(%dma_start3A_68 : memref<448x8xf32, #tpu.memory_space<hbm>>) target_semaphore(%run_scoped3A : memref<!tpu.dma_semaphore, #tpu.memory_space<semaphore_mem>>)
        %dma_wait3A = arith.constant 0 : i32
        %dma_wait3A_69 = tpu.memref_slice %arg5[%add3A_65, %dma_wait3A] : memref<200704x8xf32, #tpu.memory_space<hbm>> -> memref<448x8xf32, #tpu.memory_space<hbm>>
        %dma_wait3A_70 = arith.constant 0 : i32
        %dma_wait3A_71 = tpu.memref_slice %arg5[%add3A_65, %dma_wait3A_70] : memref<200704x8xf32, #tpu.memory_space<hbm>> -> memref<448x8xf32, #tpu.memory_space<hbm>>
        tpu.wait_dma2 semaphore(%run_scoped3A : memref<!tpu.dma_semaphore, #tpu.memory_space<semaphore_mem>>) src(%arg12 : memref<448x8xf32, #tpu.memory_space<vmem>>) dst(%dma_wait3A_71 : memref<448x8xf32, #tpu.memory_space<hbm>>)
        tpu.yield
      }) : () -> ()
    }
    %scan3A_51 = arith.constant 14 : i32
    return
  }
}

module attributes {stable_mosaic.version = 14 : i64} {
  func.func @tca_body(%arg0: i32, %arg1: memref<8x14336xf32, #tpu.memory_space<vmem>>, %arg2: memref<1x8x14336xf32, #tpu.memory_space<vmem>>, %arg3: memref<1x8x14336xf32, #tpu.memory_space<vmem>>, %arg4: memref<8x32xf32, #tpu.memory_space<vmem>>, %arg5: memref<32x1xf32, #tpu.memory_space<vmem>>, %arg6: memref<16x14336xf32, #tpu.memory_space<vmem>>, %arg7: memref<16x14336xf32, #tpu.memory_space<vmem>>, %arg8: memref<14336x16xf32, #tpu.memory_space<vmem>>, %arg9: memref<14336x16xf32, #tpu.memory_space<vmem>>) attributes {dimension_semantics = [#tpu.dimension_semantics<arbitrary>], iteration_bounds = array<i64: 7>, scalar_prefetch = 0 : i64, scratch_operands = 0 : i64, tpu.core_type = #tpu.core_type<tc>, window_params = [{transform_indices = @transform_0, window_bounds = array<i64: 8, 14336>}, {transform_indices = @transform_1, window_bounds = array<i64: 1, 8, 14336>}, {transform_indices = @transform_2, window_bounds = array<i64: 1, 8, 14336>}, {pipeline_mode = #tpu.pipeline_mode<synchronous>, transform_indices = @transform_3, window_bounds = array<i64: 8, 32>}, {pipeline_mode = #tpu.pipeline_mode<synchronous>, transform_indices = @transform_4, window_bounds = array<i64: 32, 1>}, {transform_indices = @transform_5, window_bounds = array<i64: 16, 14336>}, {transform_indices = @transform_6, window_bounds = array<i64: 16, 14336>}, {transform_indices = @transform_7, window_bounds = array<i64: 14336, 16>}, {transform_indices = @transform_8, window_bounds = array<i64: 14336, 16>}]} {
    %get3A = arith.constant 0 : index
    %get3A_0 = arith.constant 0 : index
    %get3A_1 = vector.load %arg1[%get3A, %get3A_0] : memref<8x14336xf32, #tpu.memory_space<vmem>>, vector<8x14336xf32>
    %get3A_2 = arith.constant 0 : index
    %get3A_3 = arith.constant 0 : index
    %get3A_4 = arith.constant 0 : index
    %get3A_5 = vector.load %arg2[%get3A_2, %get3A_3, %get3A_4] : memref<1x8x14336xf32, #tpu.memory_space<vmem>>, vector<1x8x14336xf32>
    %get3A_6 = vector.shape_cast %get3A_5 : vector<1x8x14336xf32> to vector<8x14336xf32>
    %add3A = arith.addf %get3A_1, %get3A_6 : vector<8x14336xf32>
    %get3A_7 = arith.constant 0 : index
    %get3A_8 = arith.constant 0 : index
    %get3A_9 = arith.constant 0 : index
    %get3A_10 = vector.load %arg3[%get3A_7, %get3A_8, %get3A_9] : memref<1x8x14336xf32, #tpu.memory_space<vmem>>, vector<1x8x14336xf32>
    %get3A_11 = vector.shape_cast %get3A_10 : vector<1x8x14336xf32> to vector<8x14336xf32>
    %add3A_12 = arith.addf %add3A, %get3A_11 : vector<8x14336xf32>
    %get3A_13 = arith.constant 0 : index
    %get3A_14 = arith.constant 0 : index
    %get3A_15 = vector.load %arg4[%get3A_13, %get3A_14] : memref<8x32xf32, #tpu.memory_space<vmem>>, vector<8x32xf32>
    %dot_general3A = arith.constant dense<0.000000e+00> : vector<32x14336xf32>
    %dot_general3A_16 = tpu.matmul %get3A_15, %add3A_12, %dot_general3A {dimension_numbers = #tpu.dot_dimension_numbers<[0], [0], [1], [1], [0, 1, 1, 1], [], []>, transpose_lhs_hint = false} : vector<8x32xf32>, vector<8x14336xf32>, vector<32x14336xf32> -> vector<32x14336xf32>
    %get3A_17 = arith.constant 0 : index
    %get3A_18 = arith.constant 0 : index
    %get3A_19 = vector.load %arg5[%get3A_17, %get3A_18] : memref<32x1xf32, #tpu.memory_space<vmem>>, vector<32x1xf32>
    %add3A_20 = vector.broadcast %get3A_19 : vector<32x1xf32> to vector<32x14336xf32>
    %add3A_21 = arith.addf %dot_general3A_16, %add3A_20 : vector<32x14336xf32>
    %max3A = arith.constant 0.000000e+00 : f32
    %max3A_22 = vector.broadcast %max3A : f32 to vector<32x14336xf32>
    %max3A_23 = arith.maximumf %add3A_21, %max3A_22 : vector<32x14336xf32>
    %slice3A = vector.extract_strided_slice %max3A_23 {offsets = [0, 0], sizes = [16, 14336], strides = [1, 1]} : vector<32x14336xf32> to vector<16x14336xf32>
    %swap3A = arith.constant 0 : index
    %swap3A_24 = arith.constant 0 : index
    %swap3A_25 = vector.load %arg6[%swap3A, %swap3A_24] : memref<16x14336xf32, #tpu.memory_space<vmem>>, vector<16x14336xf32>
    tpu.vector_store %arg6[%swap3A, %swap3A_24], %slice3A {strides = array<i32>} : memref<16x14336xf32, #tpu.memory_space<vmem>>, vector<16x14336xf32>,
    %slice3A_26 = vector.extract_strided_slice %max3A_23 {offsets = [16, 0], sizes = [16, 14336], strides = [1, 1]} : vector<32x14336xf32> to vector<16x14336xf32>
    %swap3A_27 = arith.constant 0 : index
    %swap3A_28 = arith.constant 0 : index
    %swap3A_29 = vector.load %arg7[%swap3A_27, %swap3A_28] : memref<16x14336xf32, #tpu.memory_space<vmem>>, vector<16x14336xf32>
    tpu.vector_store %arg7[%swap3A_27, %swap3A_28], %slice3A_26 {strides = array<i32>} : memref<16x14336xf32, #tpu.memory_space<vmem>>, vector<16x14336xf32>,
    %slice3A_30 = vector.extract_strided_slice %max3A_23 {offsets = [0, 0], sizes = [16, 14336], strides = [1, 1]} : vector<32x14336xf32> to vector<16x14336xf32>
    %transpose3A = tpu.transpose %slice3A_30, [1, 0] : vector<16x14336xf32> -> vector<14336x16xf32>
    %swap3A_31 = arith.constant 0 : index
    %swap3A_32 = arith.constant 0 : index
    %swap3A_33 = vector.load %arg8[%swap3A_31, %swap3A_32] : memref<14336x16xf32, #tpu.memory_space<vmem>>, vector<14336x16xf32>
    tpu.vector_store %arg8[%swap3A_31, %swap3A_32], %transpose3A {strides = array<i32>} : memref<14336x16xf32, #tpu.memory_space<vmem>>, vector<14336x16xf32>,
    %slice3A_34 = vector.extract_strided_slice %max3A_23 {offsets = [16, 0], sizes = [16, 14336], strides = [1, 1]} : vector<32x14336xf32> to vector<16x14336xf32>
    %transpose3A_35 = tpu.transpose %slice3A_34, [1, 0] : vector<16x14336xf32> -> vector<14336x16xf32>
    %swap3A_36 = arith.constant 0 : index
    %swap3A_37 = arith.constant 0 : index
    %swap3A_38 = vector.load %arg9[%swap3A_36, %swap3A_37] : memref<14336x16xf32, #tpu.memory_space<vmem>>, vector<14336x16xf32>
    tpu.vector_store %arg9[%swap3A_36, %swap3A_37], %transpose3A_35 {strides = array<i32>} : memref<14336x16xf32, #tpu.memory_space<vmem>>, vector<14336x16xf32>,
    return
  }
  func.func @transform_0(%arg0: i32) -> (i32, i32) {
    %c0_i32 = arith.constant 0 : i32
    %c0_i32_0 = arith.constant 0 : i32
    return %c0_i32, %arg0 : i32, i32
  }
  func.func @transform_1(%arg0: i32) -> (i32, i32, i32) {
    %c0_i32 = arith.constant 0 : i32
    %c0_i32_0 = arith.constant 0 : i32
    %c0_i32_1 = arith.constant 0 : i32
    return %c0_i32, %c0_i32_0, %arg0 : i32, i32, i32
  }
  func.func @transform_2(%arg0: i32) -> (i32, i32, i32) {
    %c1_i32 = arith.constant 1 : i32
    %c0_i32 = arith.constant 0 : i32
    %c0_i32_0 = arith.constant 0 : i32
    return %c1_i32, %c0_i32, %arg0 : i32, i32, i32
  }
  func.func @transform_3(%arg0: i32) -> (i32, i32) {
    %c0_i32 = arith.constant 0 : i32
    %c0_i32_0 = arith.constant 0 : i32
    %c0_i32_1 = arith.constant 0 : i32
    return %c0_i32, %c0_i32_0 : i32, i32
  }
  func.func @transform_4(%arg0: i32) -> (i32, i32) {
    %c0_i32 = arith.constant 0 : i32
    %c0_i32_0 = arith.constant 0 : i32
    %c0_i32_1 = arith.constant 0 : i32
    return %c0_i32, %c0_i32_0 : i32, i32
  }
  func.func @transform_5(%arg0: i32) -> (i32, i32) {
    %c0_i32 = arith.constant 0 : i32
    %c0_i32_0 = arith.constant 0 : i32
    return %c0_i32, %arg0 : i32, i32
  }
  func.func @transform_6(%arg0: i32) -> (i32, i32) {
    %c0_i32 = arith.constant 0 : i32
    %c0_i32_0 = arith.constant 0 : i32
    return %c0_i32, %arg0 : i32, i32
  }
  func.func @transform_7(%arg0: i32) -> (i32, i32) {
    %c0_i32 = arith.constant 0 : i32
    %c0_i32_0 = arith.constant 0 : i32
    return %arg0, %c0_i32 : i32, i32
  }
  func.func @transform_8(%arg0: i32) -> (i32, i32) {
    %c0_i32 = arith.constant 0 : i32
    %c0_i32_0 = arith.constant 0 : i32
    return %arg0, %c0_i32 : i32, i32
  }
}

module attributes {stable_mosaic.version = 14 : i64} {
  func.func @tcb_body(%arg0: i32, %arg1: memref<16x14336xf32, #tpu.memory_space<vmem>>, %arg2: memref<16x14336xf32, #tpu.memory_space<vmem>>, %arg3: memref<1x16x14336xf32, #tpu.memory_space<vmem>>, %arg4: memref<1x16x14336xf32, #tpu.memory_space<vmem>>, %arg5: memref<1x8x14336xf32, #tpu.memory_space<vmem>>, %arg6: memref<1x8x14336xf32, #tpu.memory_space<vmem>>, %arg7: memref<2x16x64xf32, #tpu.memory_space<vmem>>, %arg8: memref<64x1xf32, #tpu.memory_space<vmem>>, %arg9: memref<64x64xf32, #tpu.memory_space<vmem>>, %arg10: memref<64x1xf32, #tpu.memory_space<vmem>>, %arg11: memref<64x128xf32, #tpu.memory_space<vmem>>, %arg12: memref<1x128xf32, #tpu.memory_space<vmem>>, %arg13: memref<14336x128xf32, #tpu.memory_space<vmem>>) attributes {dimension_semantics = [#tpu.dimension_semantics<arbitrary>], iteration_bounds = array<i64: 7>, scalar_prefetch = 0 : i64, scratch_operands = 0 : i64, tpu.core_type = #tpu.core_type<tc>, window_params = [{transform_indices = @transform_0, window_bounds = array<i64: 16, 14336>}, {transform_indices = @transform_1, window_bounds = array<i64: 16, 14336>}, {transform_indices = @transform_2, window_bounds = array<i64: 1, 16, 14336>}, {transform_indices = @transform_3, window_bounds = array<i64: 1, 16, 14336>}, {transform_indices = @transform_4, window_bounds = array<i64: 1, 8, 14336>}, {transform_indices = @transform_5, window_bounds = array<i64: 1, 8, 14336>}, {pipeline_mode = #tpu.pipeline_mode<synchronous>, transform_indices = @transform_6, window_bounds = array<i64: 2, 16, 64>}, {pipeline_mode = #tpu.pipeline_mode<synchronous>, transform_indices = @transform_7, window_bounds = array<i64: 64, 1>}, {pipeline_mode = #tpu.pipeline_mode<synchronous>, transform_indices = @transform_8, window_bounds = array<i64: 64, 64>}, {pipeline_mode = #tpu.pipeline_mode<synchronous>, transform_indices = @transform_9, window_bounds = array<i64: 64, 1>}, {pipeline_mode = #tpu.pipeline_mode<synchronous>, transform_indices = @transform_10, window_bounds = array<i64: 64, 128>}, {pipeline_mode = #tpu.pipeline_mode<synchronous>, transform_indices = @transform_11, window_bounds = array<i64: 1, 128>}, {transform_indices = @transform_12, window_bounds = array<i64: 14336, 128>}]} {
    %get3A = arith.constant 0 : index
    %get3A_0 = arith.constant 0 : index
    %get3A_1 = vector.load %arg1[%get3A, %get3A_0] : memref<16x14336xf32, #tpu.memory_space<vmem>>, vector<16x14336xf32>
    %get3A_2 = arith.constant 0 : index
    %get3A_3 = arith.constant 0 : index
    %get3A_4 = arith.constant 0 : index
    %get3A_5 = vector.load %arg3[%get3A_2, %get3A_3, %get3A_4] : memref<1x16x14336xf32, #tpu.memory_space<vmem>>, vector<1x16x14336xf32>
    %get3A_6 = vector.shape_cast %get3A_5 : vector<1x16x14336xf32> to vector<16x14336xf32>
    %add3A = arith.addf %get3A_1, %get3A_6 : vector<16x14336xf32>
    %get3A_7 = arith.constant 0 : index
    %get3A_8 = arith.constant 0 : index
    %get3A_9 = vector.load %arg2[%get3A_7, %get3A_8] : memref<16x14336xf32, #tpu.memory_space<vmem>>, vector<16x14336xf32>
    %get3A_10 = arith.constant 0 : index
    %get3A_11 = arith.constant 0 : index
    %get3A_12 = arith.constant 0 : index
    %get3A_13 = vector.load %arg4[%get3A_10, %get3A_11, %get3A_12] : memref<1x16x14336xf32, #tpu.memory_space<vmem>>, vector<1x16x14336xf32>
    %get3A_14 = vector.shape_cast %get3A_13 : vector<1x16x14336xf32> to vector<16x14336xf32>
    %add3A_15 = arith.addf %get3A_9, %get3A_14 : vector<16x14336xf32>
    %get3A_16 = arith.constant 0 : index
    %get3A_17 = arith.constant 3 : index
    %get3A_18 = arith.constant 0 : index
    %get3A_19 = vector.load %arg5[%get3A_16, %get3A_17, %get3A_18] : memref<1x8x14336xf32, #tpu.memory_space<vmem>>, vector<1x1x14336xf32>
    %get3A_20 = vector.shape_cast %get3A_19 : vector<1x1x14336xf32> to vector<1x14336xf32>
    %get3A_21 = arith.constant 0 : index
    %get3A_22 = arith.constant 3 : index
    %get3A_23 = arith.constant 0 : index
    %get3A_24 = vector.load %arg6[%get3A_21, %get3A_22, %get3A_23] : memref<1x8x14336xf32, #tpu.memory_space<vmem>>, vector<1x1x14336xf32>
    %get3A_25 = vector.shape_cast %get3A_24 : vector<1x1x14336xf32> to vector<1x14336xf32>
    %add3A_26 = arith.addf %get3A_20, %get3A_25 : vector<1x14336xf32>
    %add3A_27 = arith.constant 1.000000e+00 : f32
    %add3A_28 = vector.broadcast %add3A_27 : f32 to vector<1x14336xf32>
    %add3A_29 = arith.addf %add3A_26, %add3A_28 : vector<1x14336xf32>
    %get3A_30 = arith.constant 0 : index
    %get3A_31 = arith.constant 0 : index
    %get3A_32 = arith.constant 0 : index
    %get3A_33 = vector.load %arg7[%get3A_30, %get3A_31, %get3A_32] : memref<2x16x64xf32, #tpu.memory_space<vmem>>, vector<2x16x64xf32>
    %slice3A = vector.extract_strided_slice %get3A_33 {offsets = [0, 0, 0], sizes = [1, 16, 64], strides = [1, 1, 1]} : vector<2x16x64xf32> to vector<1x16x64xf32>
    %squeeze3A = vector.shape_cast %slice3A : vector<1x16x64xf32> to vector<16x64xf32>
    %dot_general3A = arith.constant dense<0.000000e+00> : vector<64x14336xf32>
    %dot_general3A_34 = tpu.matmul %squeeze3A, %add3A, %dot_general3A {dimension_numbers = #tpu.dot_dimension_numbers<[0], [0], [1], [1], [0, 1, 1, 1], [], []>, transpose_lhs_hint = false} : vector<16x64xf32>, vector<16x14336xf32>, vector<64x14336xf32> -> vector<64x14336xf32>
    %slice3A_35 = vector.extract_strided_slice %get3A_33 {offsets = [1, 0, 0], sizes = [1, 16, 64], strides = [1, 1, 1]} : vector<2x16x64xf32> to vector<1x16x64xf32>
    %squeeze3A_36 = vector.shape_cast %slice3A_35 : vector<1x16x64xf32> to vector<16x64xf32>
    %dot_general3A_37 = arith.constant dense<0.000000e+00> : vector<64x14336xf32>
    %dot_general3A_38 = tpu.matmul %squeeze3A_36, %add3A_15, %dot_general3A_37 {dimension_numbers = #tpu.dot_dimension_numbers<[0], [0], [1], [1], [0, 1, 1, 1], [], []>, transpose_lhs_hint = false} : vector<16x64xf32>, vector<16x14336xf32>, vector<64x14336xf32> -> vector<64x14336xf32>
    %add3A_39 = arith.addf %dot_general3A_34, %dot_general3A_38 : vector<64x14336xf32>
    %get3A_40 = arith.constant 0 : index
    %get3A_41 = arith.constant 0 : index
    %get3A_42 = vector.load %arg8[%get3A_40, %get3A_41] : memref<64x1xf32, #tpu.memory_space<vmem>>, vector<64x1xf32>
    %mul3A = vector.broadcast %get3A_42 : vector<64x1xf32> to vector<64x14336xf32>
    %mul3A_43 = vector.broadcast %add3A_29 : vector<1x14336xf32> to vector<64x14336xf32>
    %mul3A_44 = arith.mulf %mul3A, %mul3A_43 : vector<64x14336xf32>
    %add3A_45 = arith.addf %add3A_39, %mul3A_44 : vector<64x14336xf32>
    %get3A_46 = arith.constant 0 : index
    %get3A_47 = arith.constant 0 : index
    %get3A_48 = vector.load %arg9[%get3A_46, %get3A_47] : memref<64x64xf32, #tpu.memory_space<vmem>>, vector<64x64xf32>
    %dot_general3A_49 = arith.constant dense<0.000000e+00> : vector<64x14336xf32>
    %dot_general3A_50 = tpu.matmul %get3A_48, %add3A_45, %dot_general3A_49 {dimension_numbers = #tpu.dot_dimension_numbers<[0], [0], [1], [1], [0, 1, 1, 1], [], []>, transpose_lhs_hint = false} : vector<64x64xf32>, vector<64x14336xf32>, vector<64x14336xf32> -> vector<64x14336xf32>
    %get3A_51 = arith.constant 0 : index
    %get3A_52 = arith.constant 0 : index
    %get3A_53 = vector.load %arg10[%get3A_51, %get3A_52] : memref<64x1xf32, #tpu.memory_space<vmem>>, vector<64x1xf32>
    %add3A_54 = vector.broadcast %get3A_53 : vector<64x1xf32> to vector<64x14336xf32>
    %add3A_55 = arith.addf %dot_general3A_50, %add3A_54 : vector<64x14336xf32>
    %max3A = arith.constant 0.000000e+00 : f32
    %max3A_56 = vector.broadcast %max3A : f32 to vector<64x14336xf32>
    %max3A_57 = arith.maximumf %add3A_55, %max3A_56 : vector<64x14336xf32>
    %get3A_58 = arith.constant 0 : index
    %get3A_59 = arith.constant 0 : index
    %get3A_60 = vector.load %arg11[%get3A_58, %get3A_59] : memref<64x128xf32, #tpu.memory_space<vmem>>, vector<64x128xf32>
    %dot_general3A_61 = arith.constant dense<0.000000e+00> : vector<14336x128xf32>
    %dot_general3A_62 = tpu.matmul %max3A_57, %get3A_60, %dot_general3A_61 {dimension_numbers = #tpu.dot_dimension_numbers<[0], [0], [1], [1], [0, 1, 1, 1], [], []>, transpose_lhs_hint = false} : vector<64x14336xf32>, vector<64x128xf32>, vector<14336x128xf32> -> vector<14336x128xf32>
    %get3A_63 = arith.constant 0 : index
    %get3A_64 = arith.constant 0 : index
    %get3A_65 = vector.load %arg12[%get3A_63, %get3A_64] : memref<1x128xf32, #tpu.memory_space<vmem>>, vector<1x128xf32>
    %add3A_66 = vector.broadcast %get3A_65 : vector<1x128xf32> to vector<14336x128xf32>
    %add3A_67 = arith.addf %dot_general3A_62, %add3A_66 : vector<14336x128xf32>
    %swap3A = arith.constant 0 : index
    %swap3A_68 = arith.constant 0 : index
    %swap3A_69 = vector.load %arg13[%swap3A, %swap3A_68] : memref<14336x128xf32, #tpu.memory_space<vmem>>, vector<14336x128xf32>
    tpu.vector_store %arg13[%swap3A, %swap3A_68], %add3A_67 {strides = array<i32>} : memref<14336x128xf32, #tpu.memory_space<vmem>>, vector<14336x128xf32>,
    return
  }
  func.func @transform_0(%arg0: i32) -> (i32, i32) {
    %c0_i32 = arith.constant 0 : i32
    %c0_i32_0 = arith.constant 0 : i32
    return %c0_i32, %arg0 : i32, i32
  }
  func.func @transform_1(%arg0: i32) -> (i32, i32) {
    %c0_i32 = arith.constant 0 : i32
    %c0_i32_0 = arith.constant 0 : i32
    return %c0_i32, %arg0 : i32, i32
  }
  func.func @transform_2(%arg0: i32) -> (i32, i32, i32) {
    %c0_i32 = arith.constant 0 : i32
    %c0_i32_0 = arith.constant 0 : i32
    %c0_i32_1 = arith.constant 0 : i32
    return %c0_i32, %c0_i32_0, %arg0 : i32, i32, i32
  }
  func.func @transform_3(%arg0: i32) -> (i32, i32, i32) {
    %c1_i32 = arith.constant 1 : i32
    %c0_i32 = arith.constant 0 : i32
    %c0_i32_0 = arith.constant 0 : i32
    return %c1_i32, %c0_i32, %arg0 : i32, i32, i32
  }
  func.func @transform_4(%arg0: i32) -> (i32, i32, i32) {
    %c0_i32 = arith.constant 0 : i32
    %c0_i32_0 = arith.constant 0 : i32
    %c0_i32_1 = arith.constant 0 : i32
    return %c0_i32, %c0_i32_0, %arg0 : i32, i32, i32
  }
  func.func @transform_5(%arg0: i32) -> (i32, i32, i32) {
    %c1_i32 = arith.constant 1 : i32
    %c0_i32 = arith.constant 0 : i32
    %c0_i32_0 = arith.constant 0 : i32
    return %c1_i32, %c0_i32, %arg0 : i32, i32, i32
  }
  func.func @transform_6(%arg0: i32) -> (i32, i32, i32) {
    %c0_i32 = arith.constant 0 : i32
    %c0_i32_0 = arith.constant 0 : i32
    %c0_i32_1 = arith.constant 0 : i32
    %c0_i32_2 = arith.constant 0 : i32
    return %c0_i32, %c0_i32_0, %c0_i32_1 : i32, i32, i32
  }
  func.func @transform_7(%arg0: i32) -> (i32, i32) {
    %c0_i32 = arith.constant 0 : i32
    %c0_i32_0 = arith.constant 0 : i32
    %c0_i32_1 = arith.constant 0 : i32
    return %c0_i32, %c0_i32_0 : i32, i32
  }
  func.func @transform_8(%arg0: i32) -> (i32, i32) {
    %c0_i32 = arith.constant 0 : i32
    %c0_i32_0 = arith.constant 0 : i32
    %c0_i32_1 = arith.constant 0 : i32
    return %c0_i32, %c0_i32_0 : i32, i32
  }
  func.func @transform_9(%arg0: i32) -> (i32, i32) {
    %c0_i32 = arith.constant 0 : i32
    %c0_i32_0 = arith.constant 0 : i32
    %c0_i32_1 = arith.constant 0 : i32
    return %c0_i32, %c0_i32_0 : i32, i32
  }
  func.func @transform_10(%arg0: i32) -> (i32, i32) {
    %c0_i32 = arith.constant 0 : i32
    %c0_i32_0 = arith.constant 0 : i32
    %c0_i32_1 = arith.constant 0 : i32
    return %c0_i32, %c0_i32_0 : i32, i32
  }
  func.func @transform_11(%arg0: i32) -> (i32, i32) {
    %c0_i32 = arith.constant 0 : i32
    %c0_i32_0 = arith.constant 0 : i32
    %c0_i32_1 = arith.constant 0 : i32
    return %c0_i32, %c0_i32_0 : i32, i32
  }
  func.func @transform_12(%arg0: i32) -> (i32, i32) {
    %c0_i32 = arith.constant 0 : i32
    %c0_i32_0 = arith.constant 0 : i32
    return %arg0, %c0_i32 : i32, i32
  }
}

</mosaic_0001>

<sc_bundles>
// kernel: kernel.6.cloned.1.call-start
scs
__scs_entry_jumppad:
0x0: {  	(pc) =	sbr.rel $0x88, $3  }
0x1: {  	(tag) =	ssettag $0x0;
	lr =	simm.s32 $0x1  }
0x2: {  	[smem:$0x3F97] =	sst lr;
	_ =	strace $0xD0000000  }
0x3: {  	_ = 	snop  }
0x4: {  	_ = 	snop  }
0x5: {  	_ = 	snop  }
0x6: {  	_ = 	snop  }
0x7: {  	_ = 	snop  }
__scs_overlays_trampoline_lowered:
0x8: {  	[smem:$0x3FA6] =	sst s0  }
0x9: {  	[smem:$0x3FA7] =	sst s1  }
0xa: {  	[smem:$0x3FA8] =	sst s2  }
0xb: {  	[smem:$0x3FA9] =	sst s3  }
0xc: {  	[smem:$0x3FAA] =	sst s4  }
0xd: {  	[smem:$0x3FAB] =	sst s5  }
0xe: {  	[smem:$0x3FAC] =	sst s6  }
0xf: {  	[smem:$0x3FAD] =	sst s7  }
0x10: {  	[smem:$0x3FAE] =	sst s8  }
0x11: {  	[smem:$0x3FAF] =	sst s9;
	s0 =	simm.s32 @!p0 $0x0  }
0x12: {  	s1 =	sld [smem:$0x3F95];
	s0 =	simm.s32 @p0 $0x1  }
0x13: {  	[smem:$0x3FB0] =	sst s0;
	s0 =	simm.s32 @!p1 $0x0  }
0x14: {  	s2 =	sld [smem:$0x3F94];
	s0 =	simm.s32 @p1 $0x1  }
0x15: {  	[smem:$0x3FB1] =	sst s0;
	s0 =	simm.s32 @!p2 $0x0  }
0x16: {  	s3 =	sld [smem:$0x3FDB];
	s0 =	simm.s32 @p2 $0x1  }
0x17: {  	s4 =	simm.s32 $0x1BF5;
	[smem:$0x3FB3] =	sst s0  }
0x18: {  	s0 =	sld [smem:$0x3F96];
	_ =	swait.ge [sflag:s4], $0x0  }
0x19: {  	s7 =	sld [smem:$0x3F97]  }
0x1a: {  	s8 =	sadd.s32 $0xFFFFE003, lr  }
0x1b: {  	s9 =	sadd.s32 $0xFFFFFEF7, lr;
	s5 =	simm.s32 $0xFFFFFFFF;
	p2 =	slt.u32 s8, $0xFFFFF086  }
0x1c: {  	p1 =	slt.u32 s9, $0xF7A;
	s5 =	simm.s32 @!p2 $0x0  }
0x1d: {  	s5 =	simm.s32 @p1 $0x1;
	p0 =	seq.s32 s7, s2  }
0x1e: {  	s7 =	smul.u32 @!p0 $0xF7A, s2;
	p2 =	seq.s32 @!p0 s5, $0x0  }
0x1f: {  	s9 =	smul.u32 $0xF7A, s1;
	s8 =	simm.s32 @!p0 $0x1BF5;
	p2 =	por !p2, p0  }
0x20: {  	[sflag:s8] =	ssyncset.s32 @!p0 $0xFFFFF086;
	s6 =	sadd.s32 @!p0 s3, s7;
	s7 =	simm.s32 @!p0 $0x108  }
0x21: {  	s3 =	sadd.s32 s3, s9;
	s6 =	sadd.s32 @!p0 $0x88, s6;
	s7 =	simm.s32 @p2 $0x1082  }
0x22: {  	[simem:s7], [sflag:s8] =	dma.local @!p0 [hbm:s6], $0xF7A  }
0x23: {  	s9 =	sor.u32 $0xD0000000, s2;
	s6 =	simm.s32 $0x108;
	_ =	swait.ge @!p0 [sflag:s8], $0x0  }
0x24: {  	s3 =	sadd.s32 $0x88, s3;
	s6 =	simm.s32 @!p1 $0x1082;
	[sflag:s4] =	ssyncset.s32 $0xFFFFF086  }
0x25: {  	[simem:s6], [sflag:s4] =	dma.local [hbm:s3], $0xF7A  }
0x26: {  	[smem:$0x3F97] =	sst s1;
	(tag) =	ssettag s2;
	_ =	strace s9  }
0x27: {  	s1 =	sld [smem:$0x3FA7]  }
0x28: {  	s2 =	sld [smem:$0x3FA8]  }
0x29: {  	s4 =	sld [smem:$0x3FAA]  }
0x2a: {  	p0 =	seq.s32 s5, $0x0;
	s5 =	sld [smem:$0x3FAB]  }
0x2b: {  	s6 =	sld [smem:$0x3FAC]  }
0x2c: {  	s7 =	sld [smem:$0x3FAD]  }
0x2d: {  	s3 =	simm.s32 $0x108;
	s8 =	sld [smem:$0x3FAE]  }
0x2e: {  	s3 =	simm.s32 @!p0 $0x1082;
	s9 =	sld [smem:$0x3FAF]  }
0x2f: {  	lr =	sadd.s32 s0, s3;
	s0 =	sld [smem:$0x3FA6]  }
0x30: {  	s3 =	sld [smem:$0x3FA9]  }
0x31: {  	[smem:$0x3FB2] =	sst s10  }
0x32: {  	s10 =	sld [smem:$0x3FB0];
	_ =	sdelay $0x3  }
0x33: {  	p0 =	seq.s32 s10, $0x1;
	s10 =	sld [smem:$0x3FB2];
	_ =	sdelay $0x3  }
0x34: {  	[smem:$0x3FB2] =	sst s10  }
0x35: {  	s10 =	sld [smem:$0x3FB1];
	_ =	sdelay $0x3  }
0x36: {  	p1 =	seq.s32 s10, $0x1;
	s10 =	sld [smem:$0x3FB2];
	_ =	sdelay $0x3  }
0x37: {  	[smem:$0x3FB2] =	sst s10  }
0x38: {  	s10 =	sld [smem:$0x3FB3]  }
0x39: {  	_ = 	snop;
	(pc) =	sbr.ind lr, $3  }
0x3a: {  	_ = 	snop  }
0x3b: {  	_ = 	snop  }
0x3c: {  	p2 =	seq.s32 s10, $0x1;
	s10 =	sld [smem:$0x3FB2]  }
0x3d: {  	_ =	shalt  }
0x3e: {  	_ =	shalt  }
0x3f: {  	_ =	shalt  }
0x40: {  	_ =	shalt  }
0x41: {  	_ =	shalt  }
0x42: {  	_ =	shalt  }
0x43: {  	_ =	shalt  }
0x44: {  	_ =	shalt  }
0x45: {  	_ =	shalt  }
0x46: {  	_ =	shalt  }
0x47: {  	_ =	shalt  }
0x48: {  	_ =	shalt  }
0x49: {  	_ =	shalt  }
0x4a: {  	_ =	shalt  }
0x4b: {  	_ =	shalt  }
0x4c: {  	_ =	shalt  }
0x4d: {  	_ =	shalt  }
0x4e: {  	_ =	shalt  }
0x4f: {  	_ =	shalt  }
0x50: {  	_ =	shalt  }
0x51: {  	_ =	shalt  }
0x52: {  	_ =	shalt  }
0x53: {  	_ =	shalt  }
0x54: {  	_ =	shalt  }
0x55: {  	_ =	shalt  }
0x56: {  	_ =	shalt  }
0x57: {  	_ =	shalt  }
0x58: {  	_ =	shalt  }
0x59: {  	_ =	shalt  }
0x5a: {  	_ =	shalt  }
0x5b: {  	_ =	shalt  }
0x5c: {  	_ =	shalt  }
0x5d: {  	_ =	shalt  }
0x5e: {  	_ =	shalt  }
0x5f: {  	_ =	shalt  }
0x60: {  	_ =	shalt  }
0x61: {  	_ =	shalt  }
0x62: {  	_ =	shalt  }
0x63: {  	_ =	shalt  }
0x64: {  	_ =	shalt  }
0x65: {  	_ =	shalt  }
0x66: {  	_ =	shalt  }
0x67: {  	_ =	shalt  }
0x68: {  	_ =	shalt  }
0x69: {  	_ =	shalt  }
0x6a: {  	_ =	shalt  }
0x6b: {  	_ =	shalt  }
0x6c: {  	_ =	shalt  }
0x6d: {  	_ =	shalt  }
0x6e: {  	_ =	shalt  }
0x6f: {  	_ =	shalt  }
0x70: {  	_ =	shalt  }
0x71: {  	_ =	shalt  }
0x72: {  	_ =	shalt  }
0x73: {  	_ =	shalt  }
0x74: {  	_ =	shalt  }
0x75: {  	_ =	shalt  }
0x76: {  	_ =	shalt  }
0x77: {  	_ =	shalt  }
0x78: {  	_ =	shalt  }
0x79: {  	_ =	shalt  }
0x7a: {  	_ =	shalt  }
0x7b: {  	_ =	shalt  }
0x7c: {  	_ =	shalt  }
0x7d: {  	_ =	shalt  }
0x7e: {  	_ =	shalt  }
0x7f: {  	_ =	shalt  }
0x80: {  	_ =	shalt  }
0x81: {  	_ =	shalt  }
0x82: {  	_ =	shalt  }
0x83: {  	_ =	shalt  }
0x84: {  	_ =	shalt  }
0x85: {  	_ =	shalt  }
0x86: {  	_ =	shalt  }
0x87: {  	_ =	shalt  }
.Lfunc_end0:
.L_simem_size_0:
called_computation_lowered:
.L_overlay_start_0:
0x88: {  	s2 =	sld [smem:$0x3FD9]  }
0x89: {  	s3 =	sld [smem:$0x3FFE];
	_ =	sdelay $0x1  }
0x8a: {  	s1 =	srdreg.scid  }
0x8b: {  	s0 =	sand.u32 $0x1, s1  }
0x8c: {  	s17 =	sshll.u32 s0, $0xA;
	s2 =	sadd.s32 s3, s2  }
0x8d: {  	s2 =	sadd.s32 s2, s17  }
0x8e: {  	[smem:$0x3FBE] =	sst s2  }
0x8f: {  	_ = 	snop  }
0x90: {  	s2 =	sld [smem:$0x3FD0];
	(tm) =	ssettm $0x1  }
0x91: {  	s18 =	sld [smem:$0x3FFB];
	_ =	sdelay $0x3  }
0x92: {  	_ =	strace s18  }
0x93: {  	s3 =	sld [smem:$0x3FFC];
	_ =	sdelay $0x3  }
0x94: {  	_ =	strace s3  }
0x95: {  	s3 =	sld [smem:$0x3FFD];
	_ =	sdelay $0x3  }
0x96: {  	_ =	strace s3  }
0x97: {  	_ =	strace $0x8FFFFFFF  }
0x98: {  	s19 =	sld [smem:$0x3FDB];
	_ =	sdelay $0x1  }
0x99: {  	s4 =	simm.s32 $_scs_section_size  }
0x9a: {  	s5 =	simm.s32 $_size__tile_overlayer_lowered;
	s6 =	simm.s32 $_tile_overlayer_lowered  }
0x9b: {  	s22 =	simm.s32 $0x1BFF;
	s21 =	sshll.u32 s6, $0x1;
	s3 =	sadd.s32 s4, s19  }
0x9c: {  	s7 =	simm.s32 $0x0;
	s20 =	sshll.u32 s5, $0x1;
	s5 =	sadd.s32 s21, s3  }
0x9d: {  	[timem:s7], [sflag:s22] =	dma.local [hbm:s5], s20  }
0x9e: {  	_ =	swait.ge [sflag:s22], s20  }
0x9f: {  	s4 =	ssub.s32 $0x0, s20;
	[sflag:s22] =	ssyncset.done $0x0  }
0xa0: {  	[sflag:s22] =	ssyncadd.s32 s4;
	_ =	sdelay $0x1  }
0xa1: {  	s23 =	simm.s32 $0x1B8B  }
0xa2: {  	_ =	swait.ge [sflag:s23], $0x1  }
0xa3: {  	[sflag:s23] =	ssyncset.done $0x0  }
0xa4: {  	s25 =	simm.s32 $0x1B8E;
	s24 =	sld [smem:$0x3FFE];
	[sflag:s23] =	ssyncadd.s32 $0xFFFFFFFF  }
0xa5: {  	s26 =	simm.s32 $execute0_lowered;
	[smem:$0x3FD2] =	sst s25  }
0xa6: {  	s5 =	sshll.u32 s26, $0x1;
	_ =	strace $0x80000046;
	[dreg:$0x1] =	wrdreg $0xFFFFFFFF  }
0xa7: {  	s28 =	simm.s32 $_size_execute0_lowered;
	s3 =	sadd.s32 s3, s5;
	[dreg:$0x0] =	wrdreg $0x0  }
0xa8: {  	s5 =	sshll.u32 s28, $0x1;
	[dreg:$0x2] =	wrdreg s3  }
0xa9: {  	[dreg:$0x3] =	wrdreg s5  }
0xaa: {  	[dreg:$0x4] =	wrdreg $0xC0  }
0xab: {  	_ =	task [dreg:s7], $0x5FFFF  }
0xac: {  	[dreg:$0x1] =	wrdreg $0xFFFFFFFF  }
0xad: {  	[dreg:$0x0] =	wrdreg $0x60  }
0xae: {  	[dreg:$0x2] =	wrdreg s24  }
0xaf: {  	[dreg:$0x3] =	wrdreg s2  }
0xb0: {  	[dreg:$0x4] =	wrdreg $0x5E000  }
0xb1: {  	[dreg:$0x5] =	wrdreg $0x9  }
0xb2: {  	_ =	task.clear_ibuf [dreg:s7], $0x6FFFF;
	_ =	strace $0x90000046  }
0xb3: {  	s29 =	simm.s32 $0x9;
	_ =	strace $0x80000048  }
0xb4: {  	_ =	swait.ge [sflag:s29], $0x1  }
0xb5: {  	[sflag:s29] =	ssyncadd.s32 $0xFFFFFFFF  }
0xb6: {  	_ =	strace $0x90000048  }
0xb7: {  	_ =	sfence  }
0xb8: {  	s30 =	sld [smem:$0x0];
	_ =	sdelay $0x2  }
0xb9: {  	s31 =	sshll.u32 s1, $0xD;
	s1 =	sshrl.u32 s1, $0x2  }
0xba: {  	s3 =	sand.u32 $0x4000, s31;
	s1 =	sadd.s32 s1, s30  }
0xbb: {  	s0 =	sor.u32 s3, s0;
	s1 =	sshll.u32 s1, $0x11  }
0xbc: {  	s0 =	sor.u32 s1, s0  }
0xbd: {  	s0 =	sadd.s32 $0x8F2B, s0  }
0xbe: {  	[sflag:s0] =	ssyncadd.remote.s32 $0x1  }
0xbf: {  	_ =	sfence.sel $0xFFFF  }
0xc0: {  	[dreg:$0x0] =	wrdreg $0xFFFFFFFF;
	(pc) =	sbr.abs _section_cstart, $3  }
0xc1: {  	[dreg:$0x1] =	wrdreg $0xFFFFFFFF  }
0xc2: {  	_ =	task.clear_ibuf [dreg:s7], $0x2FFFF;
	_ =	strace $0x9FFFFFFF  }
0xc3: {  	(tm) =	ssettm $0x7FFFFFFF  }
tec
execute0_lowered:
.L_overlay_start_1:
0x0: {  	(tag) =	ssettag $0x1  }
0x1: {  	s0 =	rddreg [dreg:$0x0]  }
0x2: {  	s3 =	rddreg [dreg:$0x1]  }
0x3: {  	s1 =	rddreg [dreg:$0x2];
	s2 =	simm.s32 $0x0  }
0x4: {  	s4 =	srdreg.scid;
	s13 =	stileid.u32;
	s28 =	simm.s32 $0x7  }
0x5: {  	s30 =	simm.s32 $0x1;
	s29 =	simm.s32 $0x0;
	s7 =	smul.u32 $0x1880, s13  }
0x6: {  	[smem:$0x7FF] =	sst s2;
	s5 =	sand.u32 $0x1, s4;
	s12 =	smul.u32 $0x31000, s13  }
0x7: {  	s4 =	sadd.s32 $0x189C00, s0;
	s8 =	sadd.s32 $0x1C00, s0;
	s26 =	smul.u32 $0x3080, s13  }
0x8: {  	_ =	strace $0x80000047;
	s6 =	sshll.u32 s5, $0x4;
	s11 =	smul.u32 $0x18800, s5  }
0x9: {  	[dreg:$0x4] =	wrdreg s8;
	s15 =	ssub.s32 $0x2, s5;
	s25 =	smul.u32 $0x30800, s5  }
0xa: {  	s6 =	sor.u32 s13, s6;
	s0 =	sadd.s32 s7, s0;
	s16 =	sshrl.u32 s15, $0x1  }
0xb: {  	s18 =	sshrl.u32 s12, $0x2;
	s9 =	smul.u32 $0x61, s6;
	s8 =	ssub.s32 s15, s16  }
0xc: {  	s0 =	sadd.s32 s11, s0;
	s11 =	sadd.s32 s18, s1;
	s19 =	smax.u32 s8, $0x1  }
0xd: {  	s10 =	smin.u32 s6, $0x15;
	s20 =	sadd.s32 $0xE00, s11;
	[dreg:$0x7] =	wrdreg s19  }
0xe: {  	p0 =	slt.u32 s6, $0x15;
	s21 =	sadd.s32 $0x1C00, s11;
	[dreg:$0x8] =	wrdreg s20  }
0xf: {  	s6 =	simm.s32 $0x62;
	s22 =	sadd.s32 $0x2A00, s11;
	[dreg:$0x9] =	wrdreg s21  }
0x10: {  	s6 =	simm.s32 @!p0 $0x61;
	s23 =	sadd.s32 $0x3800, s11;
	[dreg:$0xa] =	wrdreg s22  }
0x11: {  	s24 =	sadd.s32 $0x4600, s11;
	s18 =	sadd.s32 $0x6200, s11;
	[dreg:$0xb] =	wrdreg s23  }
0x12: {  	s31 =	sshll.u32 s10, $0x7;
	s9 =	sadd.s32 s10, s9;
	[dreg:$0xc] =	wrdreg s24  }
0x13: {  	s19 =	sadd.s32 $0x7000, s11;
	s20 =	sadd.s32 $0x7E00, s11;
	s21 =	sadd.s32 $0x8C00, s11  }
0x14: {  	s22 =	sadd.s32 $0x9A00, s11;
	s23 =	sadd.s32 $0xA800, s11;
	s9 =	sshll.u32 s9, $0x7  }
0x15: {  	s17 =	sadd.s32 s3, s9;
	s9 =	sadd.s32 $0x1E00, s0;
	s0 =	sadd.s32 s25, s3  }
0x16: {  	s25 =	sadd.s32 $0xB600, s11;
	s3 =	simm.s32 $0x5;
	[dreg:$0x5] =	wrdreg s17  }
0x17: {  	s7 =	sadd.s32 $0x61A80, s17;
	s17 =	sadd.s32 $0x5400, s11;
	s0 =	sadd.s32 s26, s0  }
0x18: {  	s26 =	simm.s32 $0x5000;
	[dreg:$0x6] =	wrdreg s7;
	s24 =	sadd.s32 s31, s0  }
.LBB2_1:
0x19: {  	s0 =	rddreg [dreg:$0x4]  }
0x1a: {  	[tilespmem:s26], [sflag:$0x7] =	stream.linear.gather [hbm4b:s0+s2], $0xE00, $0x38;
	[tilespmem:$0x12200] =	vst v63  }
0x1b: {  	_ =	swait.ge [sflag:s28], $0xE00  }
0x1c: {  	[sflag:s28] =	ssyncset.done $0x0  }
0x1d: {  	[sflag:s28] =	ssyncadd.s32 $0xFFFFF200  }
0x1e: {  	[spmem:s11] =	stream.linear.scatter [tilespmem:s26], [sflag:$0x7], $0xE00, $0x38;
	[tilespmem:$0x12200] =	vst v63  }
0x1f: {  	_ =	swait.ge [sflag:s28], $0xE00  }
0x20: {  	[sflag:s28] =	ssyncset.done $0x0  }
0x21: {  	s5 =	rddreg [dreg:$0x8];
	[sflag:s28] =	ssyncadd.s32 $0xFFFFF200  }
0x22: {  	[spmem:s5] =	stream.linear.scatter [tilespmem:s26], [sflag:$0x7], $0xE00, $0x38;
	[tilespmem:$0x12200] =	vst v63  }
0x23: {  	_ =	swait.ge [sflag:s28], $0xE00  }
0x24: {  	[sflag:s28] =	ssyncset.done $0x0  }
0x25: {  	s7 =	rddreg [dreg:$0x9];
	[sflag:s28] =	ssyncadd.s32 $0xFFFFF200  }
0x26: {  	[spmem:s7] =	stream.linear.scatter [tilespmem:s26], [sflag:$0x7], $0xE00, $0x38;
	[tilespmem:$0x12200] =	vst v63  }
0x27: {  	_ =	swait.ge [sflag:s28], $0xE00  }
0x28: {  	[sflag:s28] =	ssyncset.done $0x0  }
0x29: {  	s8 =	rddreg [dreg:$0xa];
	[sflag:s28] =	ssyncadd.s32 $0xFFFFF200  }
0x2a: {  	[spmem:s8] =	stream.linear.scatter [tilespmem:s26], [sflag:$0x7], $0xE00, $0x38;
	[tilespmem:$0x12200] =	vst v63  }
0x2b: {  	_ =	swait.ge [sflag:s28], $0xE00  }
0x2c: {  	[sflag:s28] =	ssyncset.done $0x0  }
0x2d: {  	s10 =	rddreg [dreg:$0xb];
	[sflag:s28] =	ssyncadd.s32 $0xFFFFF200  }
0x2e: {  	[spmem:s10] =	stream.linear.scatter [tilespmem:s26], [sflag:$0x7], $0xE00, $0x38;
	[tilespmem:$0x12200] =	vst v63  }
0x2f: {  	_ =	swait.ge [sflag:s28], $0xE00  }
0x30: {  	[sflag:s28] =	ssyncset.done $0x0  }
0x31: {  	s12 =	rddreg [dreg:$0xc];
	[sflag:s28] =	ssyncadd.s32 $0xFFFFF200  }
0x32: {  	[spmem:s12] =	stream.linear.scatter [tilespmem:s26], [sflag:$0x7], $0xE00, $0x38;
	[tilespmem:$0x12200] =	vst v63  }
0x33: {  	_ =	swait.ge [sflag:s28], $0xE00  }
0x34: {  	[sflag:s28] =	ssyncset.done $0x0  }
0x35: {  	[sflag:s28] =	ssyncadd.s32 $0xFFFFF200  }
0x36: {  	[spmem:s17] =	stream.linear.scatter [tilespmem:s26], [sflag:$0x7], $0xE00, $0x38;
	[tilespmem:$0x12200] =	vst v63  }
0x37: {  	_ =	swait.ge [sflag:s28], $0xE00  }
0x38: {  	[sflag:s28] =	ssyncset.done $0x0  }
0x39: {  	[sflag:s28] =	ssyncadd.s32 $0xFFFFF200  }
0x3a: {  	[spmem:s18] =	stream.linear.scatter [tilespmem:s26], [sflag:$0x7], $0xE00, $0x38;
	[tilespmem:$0x12200] =	vst v63  }
0x3b: {  	_ =	swait.ge [sflag:s28], $0xE00  }
0x3c: {  	[sflag:s28] =	ssyncset.done $0x0  }
0x3d: {  	[sflag:s28] =	ssyncadd.s32 $0xFFFFF200  }
0x3e: {  	[spmem:s19] =	stream.linear.scatter [tilespmem:s26], [sflag:$0x7], $0xE00, $0x38;
	[tilespmem:$0x12200] =	vst v63  }
0x3f: {  	_ =	swait.ge [sflag:s28], $0xE00  }
0x40: {  	[sflag:s28] =	ssyncset.done $0x0  }
0x41: {  	[sflag:s28] =	ssyncadd.s32 $0xFFFFF200  }
0x42: {  	[spmem:s20] =	stream.linear.scatter [tilespmem:s26], [sflag:$0x7], $0xE00, $0x38;
	[tilespmem:$0x12200] =	vst v63  }
0x43: {  	_ =	swait.ge [sflag:s28], $0xE00  }
0x44: {  	[sflag:s28] =	ssyncset.done $0x0  }
0x45: {  	[sflag:s28] =	ssyncadd.s32 $0xFFFFF200  }
0x46: {  	[spmem:s21] =	stream.linear.scatter [tilespmem:s26], [sflag:$0x7], $0xE00, $0x38;
	[tilespmem:$0x12200] =	vst v63  }
0x47: {  	_ =	swait.ge [sflag:s28], $0xE00  }
0x48: {  	[sflag:s28] =	ssyncset.done $0x0  }
0x49: {  	[sflag:s28] =	ssyncadd.s32 $0xFFFFF200  }
0x4a: {  	[spmem:s22] =	stream.linear.scatter [tilespmem:s26], [sflag:$0x7], $0xE00, $0x38;
	[tilespmem:$0x12200] =	vst v63  }
0x4b: {  	_ =	swait.ge [sflag:s28], $0xE00  }
0x4c: {  	[sflag:s28] =	ssyncset.done $0x0  }
0x4d: {  	[sflag:s28] =	ssyncadd.s32 $0xFFFFF200  }
0x4e: {  	[spmem:s23] =	stream.linear.scatter [tilespmem:s26], [sflag:$0x7], $0xE00, $0x38;
	[tilespmem:$0x12200] =	vst v63  }
0x4f: {  	_ =	swait.ge [sflag:s28], $0xE00  }
0x50: {  	[sflag:s28] =	ssyncset.done $0x0  }
0x51: {  	[sflag:s28] =	ssyncadd.s32 $0xFFFFF200  }
0x52: {  	[spmem:s25] =	stream.linear.scatter [tilespmem:s26], [sflag:$0x7], $0xE00, $0x38;
	[tilespmem:$0x12200] =	vst v63  }
0x53: {  	_ =	swait.ge [sflag:s28], $0xE00  }
0x54: {  	[sflag:s28] =	ssyncset.done $0x0  }
0x55: {  	[sflag:s28] =	ssyncadd.s32 $0xFFFFF200  }
0x56: {  	[bflag:$0x0] =	sbarrier.arrive $0xFFFF  }
0x57: {  	s13 =	rddreg [dreg:$0x5]  }
0x58: {  	[tilespmem:s2], [sflag:$0x1] =	stream.linear.gather [hbm4b:s13+s2], $0x400, $0x38;
	[tilespmem:$0x12200] =	vst v63  }
0x59: {  	s5 =	simm.s32 $0x800;
	s14 =	rddreg [dreg:$0x6]  }
0x5a: {  	[tilespmem:s5], [sflag:$0x1] =	stream.linear.gather [hbm4b:s14+s2], $0x400, $0x38;
	[tilespmem:$0x12200] =	vst v63  }
0x5b: {  	_ =	swait.ge [sflag:s30], $0x400  }
0x5c: {  	[sflag:s30] =	ssyncset.done $0x0  }
0x5d: {  	[sflag:s30] =	ssyncadd.s32 $0xFFFFFC00  }
0x5e: {  	s15 =	simm.s32 $0x400;
	_ =	swait.ge [sflag:s30], $0x400  }
0x5f: {  	s16 =	simm.s32 $0x1000;
	p0 =	sle.u32 s6, $0x1;
	[sflag:s30] =	ssyncset.done $0x0  }
0x60: {  	s0 =	simm.s32 @p0 $0x3;
	p0 =	por p0, p0;
	[sflag:s30] =	ssyncadd.s32 $0xFFFFFC00  }
0x61: {  	[tilespmem:s16], [sflag:$0x3] =	stream.indirect.gather [hbm4b:s4+s15], $0x8, s2, s15, $0xb8;
	[tilespmem:$0x12200] =	vst v63  }
0x62: {  	_ =	swait.ge @p0 [sflag:s0], $0x2000  }
0x63: {  	s31 =	simm.s32 @p0 $0x800;
	s8 =	sadd.s32 @!p0 $0x0, s24;
	[sflag:s0] =	ssyncset.done @p0 $0x0  }
0x64: {  	s10 =	simm.s32 @p0 $0x400;
	s5 =	simm.s32 @p0 $0x1000;
	[sflag:s0] =	ssyncadd.s32 @p0 $0xFFFFE000  }
0x65: {  	[spmem:s1] =	stream.indirect.scatter.add.f32 @p0 [tilespmem:s5], [sflag:$0x5], $0x8, s31, s10, $0xb8;
	[tilespmem:$0x12200] =	vst v63  }
0x66: {  	s0 =	sadd.s32 @!p0 $0x80, s8;
	s5 =	simm.s32 @!p0 $0x0;
	s10 =	simm.s32 @!p0 $0x400  }
0x67: {  	[tilespmem:s10], [sflag:$0x2] =	stream.linear.gather @!p0 [hbm4b:s0+s5], $0x400, $0x38;
	[tilespmem:$0x12200] =	vst v63  }
0x68: {  	s31 =	simm.s32 @!p0 $0x3;
	s0 =	sadd.s32 @!p0 $0x61B00, s8;
	s8 =	simm.s32 @!p0 $0xC00  }
0x69: {  	[tilespmem:s8], [sflag:$0x2] =	stream.linear.gather @!p0 [hbm4b:s0+s5], $0x400, $0x38;
	[tilespmem:$0x12200] =	vst v63  }
0x6a: {  	_ =	swait.ge @!p0 [sflag:s31], $0x2000  }
0x6b: {  	s12 =	simm.s32 @!p0 $0x1000;
	[sflag:s31] =	ssyncset.done @!p0 $0x0  }
0x6c: {  	s0 =	simm.s32 @!p0 $0x2;
	s5 =	simm.s32 @!p0 $0x800;
	[sflag:s31] =	ssyncadd.s32 @!p0 $0xFFFFE000  }
0x6d: {  	[spmem:s1] =	stream.indirect.scatter.add.f32 @!p0 [tilespmem:s12], [sflag:$0x5], $0x8, s5, s10, $0xb8;
	[tilespmem:$0x12200] =	vst v63  }
0x6e: {  	_ =	swait.ge @!p0 [sflag:s0], $0x400  }
0x6f: {  	[sflag:s0] =	ssyncset.done @!p0 $0x0  }
0x70: {  	[sflag:s0] =	ssyncadd.s32 @!p0 $0xFFFFFC00  }
0x71: {  	_ =	swait.ge @!p0 [sflag:s0], $0x400  }
0x72: {  	p1 =	sle.u32 s6, $0x2;
	[sflag:s0] =	ssyncset.done @!p0 $0x0  }
0x73: {  	s5 =	simm.s32 @!p0 $0x3000;
	[sflag:s0] =	ssyncadd.s32 @!p0 $0xFFFFFC00;
	s0 =	sadd.s32 @!p1 $0x0, s24  }
0x74: {  	[tilespmem:s5], [sflag:$0x4] =	stream.indirect.gather @!p0 [hbm4b:s4+s10], $0x8, s10, s10, $0xb8;
	[tilespmem:$0x12200] =	vst v63  }
0x75: {  	s12 =	simm.s32 @!p1 $0x0;
	s31 =	sadd.s32 @!p1 $0x100, s0  }
0x76: {  	[tilespmem:s12], [sflag:$0x1] =	stream.linear.gather @!p1 [hbm4b:s31+s12], $0x400, $0x38;
	[tilespmem:$0x12200] =	vst v63  }
0x77: {  	s0 =	sadd.s32 @!p1 $0x61B80, s0;
	s31 =	simm.s32 @!p1 $0x800  }
0x78: {  	[tilespmem:s31], [sflag:$0x1] =	stream.linear.gather @!p1 [hbm4b:s0+s12], $0x400, $0x38;
	[tilespmem:$0x12200] =	vst v63  }
0x79: {  	_ =	swait.ge [sflag:s3], $0x2000  }
0x7a: {  	[sflag:s3] =	ssyncset.done $0x0  }
0x7b: {  	s0 =	simm.s32 @!p0 $0x4;
	[sflag:s3] =	ssyncadd.s32 $0xFFFFE000  }
0x7c: {  	_ =	swait.ge @!p0 [sflag:s0], $0x2000  }
0x7d: {  	[sflag:s0] =	ssyncset.done @!p0 $0x0  }
0x7e: {  	[sflag:s0] =	ssyncadd.s32 @!p0 $0xFFFFE000;
	s0 =	simm.s32 @!p1 $0x1  }
0x7f: {  	[spmem:s1] =	stream.indirect.scatter.add.f32 @!p0 [tilespmem:s5], [sflag:$0x6], $0x8, s8, s10, $0xb8;
	[tilespmem:$0x12200] =	vst v63  }
0x80: {  	_ =	swait.ge @!p1 [sflag:s0], $0x400  }
0x81: {  	[sflag:s0] =	ssyncset.done @!p1 $0x0  }
0x82: {  	[sflag:s0] =	ssyncadd.s32 @!p1 $0xFFFFFC00  }
0x83: {  	p2 =	sle.u32 s6, $0x3;
	_ =	swait.ge @!p1 [sflag:s0], $0x400  }
0x84: {  	s31 =	simm.s32 $0x4;
	s5 =	simm.s32 @!p1 $0x1000;
	[sflag:s0] =	ssyncset.done @!p1 $0x0  }
0x85: {  	s8 =	simm.s32 @!p1 $0x400;
	s10 =	simm.s32 @!p0 $0x6;
	[sflag:s0] =	ssyncadd.s32 @!p1 $0xFFFFFC00  }
0x86: {  	[tilespmem:s5], [sflag:$0x3] =	stream.indirect.gather @!p1 [hbm4b:s4+s8], $0x8, s12, s8, $0xb8;
	[tilespmem:$0x12200] =	vst v63  }
0x87: {  	s0 =	simm.s32 $0x100;
	s5 =	simm.s32 $0x200;
	_ =	swait.ge @!p0 [sflag:s10], $0x2000  }
.LBB2_2:
0x88: {  	s12 =	simm.s32 @p2 $0x3  }
0x89: {  	[sflag:s10] =	ssyncset.done @!p0 $0x0;
	s8 =	smov.u32 s5;
	s5 =	sadd.s32 $0x100, s5  }
0x8a: {  	p1 =	sne.s32 s5, $0x3100;
	[sflag:s10] =	ssyncadd.s32 @!p0 $0xFFFFE000;
	p0 =	por p2, p2  }
0x8b: {  	_ =	swait.ge @p0 [sflag:s12], $0x2000;
	s10 =	simm.s32 @p0 $0x1000;
	s13 =	sadd.s32 @!p0 s0, s24  }
0x8c: {  	s14 =	simm.s32 @p0 $0x400;
	s15 =	simm.s32 @p0 $0x800;
	[sflag:s12] =	ssyncset.done @p0 $0x0  }
0x8d: {  	[sflag:s12] =	ssyncadd.s32 @p0 $0xFFFFE000;
	s12 =	sadd.s32 @!p0 $0x80, s13;
	s13 =	sadd.s32 @!p0 $0x61B00, s13  }
0x8e: {  	[spmem:s1] =	stream.indirect.scatter.add.f32 @p0 [tilespmem:s10], [sflag:$0x5], $0x8, s15, s14, $0xb8;
	[tilespmem:$0x12200] =	vst v63  }
0x8f: {  	s10 =	simm.s32 @!p0 $0x0;
	s14 =	simm.s32 @!p0 $0x400  }
0x90: {  	[tilespmem:s14], [sflag:$0x2] =	stream.linear.gather @!p0 [hbm4b:s12+s10], $0x400, $0x38;
	[tilespmem:$0x12200] =	vst v63  }
0x91: {  	s15 =	simm.s32 @!p0 $0x3;
	s12 =	simm.s32 @!p0 $0xC00  }
0x92: {  	[tilespmem:s12], [sflag:$0x2] =	stream.linear.gather @!p0 [hbm4b:s13+s10], $0x400, $0x38;
	[tilespmem:$0x12200] =	vst v63  }
0x93: {  	s10 =	simm.s32 @!p0 $0x2;
	_ =	swait.ge @!p0 [sflag:s15], $0x2000  }
0x94: {  	s16 =	simm.s32 @!p0 $0x1000;
	s13 =	simm.s32 @!p0 $0x800;
	[sflag:s15] =	ssyncset.done @!p0 $0x0  }
0x95: {  	[sflag:s15] =	ssyncadd.s32 @!p0 $0xFFFFE000  }
0x96: {  	[spmem:s1] =	stream.indirect.scatter.add.f32 @!p0 [tilespmem:s16], [sflag:$0x5], $0x8, s13, s14, $0xb8;
	[tilespmem:$0x12200] =	vst v63  }
0x97: {  	_ =	swait.ge @!p0 [sflag:s10], $0x400  }
0x98: {  	[sflag:s10] =	ssyncset.done @!p0 $0x0  }
0x99: {  	[sflag:s10] =	ssyncadd.s32 @!p0 $0xFFFFFC00  }
0x9a: {  	_ =	swait.ge @!p0 [sflag:s10], $0x400  }
0x9b: {  	p2 =	sge.u32 s31, s6;
	s13 =	simm.s32 @!p0 $0x3000;
	[sflag:s10] =	ssyncset.done @!p0 $0x0  }
0x9c: {  	s0 =	sadd.s32 @!p2 s0, s24;
	s15 =	simm.s32 @!p2 $0x0;
	[sflag:s10] =	ssyncadd.s32 @!p0 $0xFFFFFC00  }
0x9d: {  	[tilespmem:s13], [sflag:$0x4] =	stream.indirect.gather @!p0 [hbm4b:s4+s14], $0x8, s14, s14, $0xb8;
	[tilespmem:$0x12200] =	vst v63  }
0x9e: {  	s7 =	simm.s32 @!p2 $0x800;
	s16 =	sadd.s32 @!p2 $0x61B80, s0;
	s10 =	sadd.s32 @!p2 $0x100, s0  }
0x9f: {  	[tilespmem:s15], [sflag:$0x1] =	stream.linear.gather @!p2 [hbm4b:s10+s15], $0x400, $0x38;
	[tilespmem:$0x12200] =	vst v63  }
0xa0: {  	s0 =	smov.u32 s8  }
0xa1: {  	[tilespmem:s7], [sflag:$0x1] =	stream.linear.gather @!p2 [hbm4b:s16+s15], $0x400, $0x38;
	[tilespmem:$0x12200] =	vst v63  }
0xa2: {  	_ =	swait.ge [sflag:s3], $0x2000  }
0xa3: {  	s7 =	simm.s32 @!p0 $0x4;
	[sflag:s3] =	ssyncset.done $0x0  }
0xa4: {  	[sflag:s3] =	ssyncadd.s32 $0xFFFFE000  }
0xa5: {  	_ =	swait.ge @!p0 [sflag:s7], $0x2000  }
0xa6: {  	[sflag:s7] =	ssyncset.done @!p0 $0x0  }
0xa7: {  	[sflag:s7] =	ssyncadd.s32 @!p0 $0xFFFFE000;
	s7 =	simm.s32 @!p2 $0x1  }
0xa8: {  	[spmem:s1] =	stream.indirect.scatter.add.f32 @!p0 [tilespmem:s13], [sflag:$0x6], $0x8, s12, s14, $0xb8;
	[tilespmem:$0x12200] =	vst v63  }
0xa9: {  	_ =	swait.ge @!p2 [sflag:s7], $0x400  }
0xaa: {  	[sflag:s7] =	ssyncset.done @!p2 $0x0  }
0xab: {  	s31 =	sadd.s32 $0x2, s31;
	[sflag:s7] =	ssyncadd.s32 @!p2 $0xFFFFFC00  }
.Ltmp0:
0xac: {  	s8 =	simm.s32 @!p2 $0x1000;
	_ =	swait.ge @!p2 [sflag:s7], $0x400;
	(pc) =	sbr.rel @p1 .LBB2_2-.Ltmp0, $4  }
0xad: {  	s10 =	simm.s32 @!p0 $0x6;
	s12 =	simm.s32 @!p2 $0x400;
	[sflag:s7] =	ssyncset.done @!p2 $0x0  }
0xae: {  	s13 =	sadd.s32 $0xFFFFFFFF, s31;
	[sflag:s7] =	ssyncadd.s32 @!p2 $0xFFFFFC00  }
0xaf: {  	[tilespmem:s8], [sflag:$0x3] =	stream.indirect.gather @!p2 [hbm4b:s4+s12], $0x8, s15, s12, $0xb8;
	[tilespmem:$0x12200] =	vst v63  }
0xb0: {  	p2 =	sge.u32 s13, s6;
	_ =	swait.ge @!p0 [sflag:s10], $0x2000  }
0xb1: {  	[sflag:s10] =	ssyncset.done @!p0 $0x0  }
0xb2: {  	s5 =	simm.s32 @p2 $0x3;
	[sflag:s10] =	ssyncadd.s32 @!p0 $0xFFFFE000;
	p0 =	por p2, p2  }
0xb3: {  	_ =	swait.ge @p0 [sflag:s5], $0x2000  }
0xb4: {  	s7 =	simm.s32 @p0 $0x1000;
	s8 =	sadd.s32 @!p0 s0, s24;
	[sflag:s5] =	ssyncset.done @p0 $0x0  }
0xb5: {  	s10 =	simm.s32 @p0 $0x400;
	s12 =	simm.s32 @p0 $0x800;
	[sflag:s5] =	ssyncadd.s32 @p0 $0xFFFFE000  }
0xb6: {  	[spmem:s1] =	stream.indirect.scatter.add.f32 @p0 [tilespmem:s7], [sflag:$0x5], $0x8, s12, s10, $0xb8;
	[tilespmem:$0x12200] =	vst v63  }
0xb7: {  	s5 =	sadd.s32 @!p0 $0x80, s8;
	s7 =	simm.s32 @!p0 $0x0;
	s10 =	simm.s32 @!p0 $0x400  }
0xb8: {  	[tilespmem:s10], [sflag:$0x2] =	stream.linear.gather @!p0 [hbm4b:s5+s7], $0x400, $0x38;
	[tilespmem:$0x12200] =	vst v63  }
0xb9: {  	s12 =	simm.s32 @!p0 $0x3;
	s5 =	sadd.s32 @!p0 $0x61B00, s8;
	s8 =	simm.s32 @!p0 $0xC00  }
0xba: {  	[tilespmem:s8], [sflag:$0x2] =	stream.linear.gather @!p0 [hbm4b:s5+s7], $0x400, $0x38;
	[tilespmem:$0x12200] =	vst v63  }
0xbb: {  	_ =	swait.ge @!p0 [sflag:s12], $0x2000  }
0xbc: {  	s13 =	simm.s32 @!p0 $0x1000;
	[sflag:s12] =	ssyncset.done @!p0 $0x0  }
0xbd: {  	s5 =	simm.s32 @!p0 $0x2;
	s7 =	simm.s32 @!p0 $0x800;
	[sflag:s12] =	ssyncadd.s32 @!p0 $0xFFFFE000  }
0xbe: {  	[spmem:s1] =	stream.indirect.scatter.add.f32 @!p0 [tilespmem:s13], [sflag:$0x5], $0x8, s7, s10, $0xb8;
	[tilespmem:$0x12200] =	vst v63  }
0xbf: {  	_ =	swait.ge @!p0 [sflag:s5], $0x400  }
0xc0: {  	[sflag:s5] =	ssyncset.done @!p0 $0x0  }
0xc1: {  	[sflag:s5] =	ssyncadd.s32 @!p0 $0xFFFFFC00  }
0xc2: {  	_ =	swait.ge @!p0 [sflag:s5], $0x400  }
0xc3: {  	p1 =	sge.u32 s31, s6;
	[sflag:s5] =	ssyncset.done @!p0 $0x0  }
0xc4: {  	s0 =	sadd.s32 @!p1 s0, s24;
	s7 =	simm.s32 @!p0 $0x3000;
	[sflag:s5] =	ssyncadd.s32 @!p0 $0xFFFFFC00  }
0xc5: {  	[tilespmem:s7], [sflag:$0x4] =	stream.indirect.gather @!p0 [hbm4b:s4+s10], $0x8, s10, s10, $0xb8;
	[tilespmem:$0x12200] =	vst v63  }
0xc6: {  	s12 =	sadd.s32 @!p1 $0x100, s0;
	s5 =	simm.s32 @!p1 $0x0  }
0xc7: {  	[tilespmem:s5], [sflag:$0x1] =	stream.linear.gather @!p1 [hbm4b:s12+s5], $0x400, $0x38;
	[tilespmem:$0x12200] =	vst v63  }
0xc8: {  	s0 =	sadd.s32 @!p1 $0x61B80, s0;
	s12 =	simm.s32 @!p1 $0x800  }
0xc9: {  	[tilespmem:s12], [sflag:$0x1] =	stream.linear.gather @!p1 [hbm4b:s0+s5], $0x400, $0x38;
	[tilespmem:$0x12200] =	vst v63  }
0xca: {  	_ =	swait.ge [sflag:s3], $0x2000  }
0xcb: {  	[sflag:s3] =	ssyncset.done $0x0  }
0xcc: {  	s0 =	simm.s32 @!p0 $0x4;
	[sflag:s3] =	ssyncadd.s32 $0xFFFFE000  }
0xcd: {  	_ =	swait.ge @!p0 [sflag:s0], $0x2000  }
0xce: {  	[sflag:s0] =	ssyncset.done @!p0 $0x0  }
0xcf: {  	[sflag:s0] =	ssyncadd.s32 @!p0 $0xFFFFE000;
	s0 =	simm.s32 @!p1 $0x1  }
0xd0: {  	[spmem:s1] =	stream.indirect.scatter.add.f32 @!p0 [tilespmem:s7], [sflag:$0x6], $0x8, s8, s10, $0xb8;
	[tilespmem:$0x12200] =	vst v63  }
0xd1: {  	_ =	swait.ge @!p1 [sflag:s0], $0x400  }
0xd2: {  	[sflag:s0] =	ssyncset.done @!p1 $0x0  }
0xd3: {  	[sflag:s0] =	ssyncadd.s32 @!p1 $0xFFFFFC00  }
0xd4: {  	_ =	swait.ge @!p1 [sflag:s0], $0x400  }
0xd5: {  	s7 =	simm.s32 @!p1 $0x1000;
	[sflag:s0] =	ssyncset.done @!p1 $0x0  }
0xd6: {  	s8 =	simm.s32 @!p1 $0x400;
	s10 =	simm.s32 @!p0 $0x6;
	[sflag:s0] =	ssyncadd.s32 @!p1 $0xFFFFFC00  }
0xd7: {  	[tilespmem:s7], [sflag:$0x3] =	stream.indirect.gather @!p1 [hbm4b:s4+s8], $0x8, s5, s8, $0xb8;
	[tilespmem:$0x12200] =	vst v63  }
0xd8: {  	_ =	swait.ge @!p0 [sflag:s10], $0x2000  }
0xd9: {  	[sflag:s10] =	ssyncset.done @!p0 $0x0  }
0xda: {  	[sflag:s10] =	ssyncadd.s32 @!p0 $0xFFFFE000  }
0xdb: {  	[bflag:$0x0] =	sbarrier.arrive $0xFFFF  }
0xdc: {  	[tilespmem:s26], [sflag:$0x7] =	stream.linear.gather [spmem:s11], $0xE00, $0x38;
	[tilespmem:$0x12200] =	vst v63  }
0xdd: {  	_ =	swait.ge [sflag:s28], $0xE00  }
0xde: {  	[sflag:s28] =	ssyncset.done $0x0  }
0xdf: {  	s31 =	sadd.s32 $0x0, s9;
	[sflag:s28] =	ssyncadd.s32 $0xFFFFF200  }
0xe0: {  	[hbm4b:s31+s2] =	stream.linear.scatter [tilespmem:s26], [sflag:$0x7], $0xE00, $0x38;
	[tilespmem:$0x12200] =	vst v63  }
0xe1: {  	_ =	swait.ge [sflag:s28], $0xE00  }
0xe2: {  	s0 =	simm.s32 $0x1C0;
	s5 =	smov.u32 s11;
	[sflag:s28] =	ssyncset.done $0x0  }
.LBB2_4:
0xe3: {  	p0 =	sne.s32 s0, $0x16C0;
	[sflag:s28] =	ssyncadd.s32 $0xFFFFF200;
	s5 =	sadd.s32 $0xE00, s5  }
0xe4: {  	[tilespmem:s26], [sflag:$0x7] =	stream.linear.gather [spmem:s5], $0xE00, $0x38;
	[tilespmem:$0x12200] =	vst v63  }
0xe5: {  	s7 =	smov.u32 s0;
	s0 =	sadd.s32 $0x1C0, s0;
	_ =	swait.ge [sflag:s28], $0xE00  }
.Ltmp1:
0xe6: {  	[sflag:s28] =	ssyncset.done $0x0;
	(pc) =	sbr.rel @p0 .LBB2_4-.Ltmp1, $4  }
0xe7: {  	s7 =	sadd.s32 s7, s9;
	[sflag:s28] =	ssyncadd.s32 $0xFFFFF200  }
0xe8: {  	[hbm4b:s7+s2] =	stream.linear.scatter [tilespmem:s26], [sflag:$0x7], $0xE00, $0x38;
	[tilespmem:$0x12200] =	vst v63  }
0xe9: {  	_ =	swait.ge [sflag:s28], $0xE00  }
0xea: {  	[sflag:s28] =	ssyncset.done $0x0  }
0xeb: {  	s29 =	sadd.s32 $0x1, s29;
	s0 =	rddreg [dreg:$0x7]  }
0xec: {  	p0 =	sne.s32 s29, s0  }
.Ltmp2:
0xed: {  	_ = 	snop;
	(pc) =	sbr.rel @p0 .LBB2_1-.Ltmp2, $2  }
0xee: {  	_ =	sdelay $0x2  }
0xef: {  	[sflag:s28] =	ssyncadd.s32 $0xFFFFF200  }
0xf0: {  	_ =	sfence.sel $0x180000  }
0xf1: {  	[bflag:$0x0] =	sbarrier.arrive $0xFFFF  }
0xf2: {  	_ =	strace $0x90000047  }
0xf3: {  	s0 =	stileid.u32;
	[bflag:$0x2] =	sbarrier.arrive $0xFFFF  }
0xf4: {  	p0 =	sne.s32 s0, $0x0;
	s0 =	rddreg [dreg:$0x3]  }
0xf5: {  	s0 =	sadd.s32 @!p0 $0x100000, s0  }
0xf6: {  	[sflag:s0] =	ssyncadd.tile.s32 @!p0 $0x1;
	_ =	shalt  }
.Lfunc_end2:
_tile_overlayer_lowered:
.L_overlay_start_2:
0xf7: {  	(tag) =	ssettag $0x2  }
0xf8: {  	s0 =	rddreg [dreg:$0x0];
	s2 =	stileid.u32  }
0xf9: {  	s1 =	rddreg [dreg:$0x1];
	p0 =	sne.s32 s2, $0x0  }
0xfa: {  	s3 =	rddreg [dreg:$0x2];
	[bflag:$0x3] =	sbarrier.arrive $0xFFFF;
	s2 =	simm.s32 @!p0 $0x1C07  }
0xfb: {  	[timem:s3], [sflag:s2] =	dma.local @!p0 [hbm:s0], s1  }
0xfc: {  	s0 =	simm.s32 @!p0 $0x7  }
0xfd: {  	_ =	swait.ge @!p0 [sflag:s0], s1  }
0xfe: {  	s1 =	ssub.s32 @!p0 $0x0, s1;
	[sflag:s0] =	ssyncset.done @!p0 $0x0  }
0xff: {  	[sflag:s0] =	ssyncadd.s32 @!p0 s1  }
0x100: {  	[bflag:$0x3] =	sbarrier.arrive $0xFFFF  }
0x101: {  	_ =	shalt  }

// kernel: kernel.9.cloned.1.call-start
scs
__scs_entry_jumppad:
0x0: {  	(pc) =	sbr.rel $0x88, $3  }
0x1: {  	(tag) =	ssettag $0x0;
	lr =	simm.s32 $0x1  }
0x2: {  	[smem:$0x3F97] =	sst lr;
	_ =	strace $0xD0000000  }
0x3: {  	_ = 	snop  }
0x4: {  	_ = 	snop  }
0x5: {  	_ = 	snop  }
0x6: {  	_ = 	snop  }
0x7: {  	_ = 	snop  }
__scs_overlays_trampoline_lowered:
0x8: {  	[smem:$0x3FA6] =	sst s0  }
0x9: {  	[smem:$0x3FA7] =	sst s1  }
0xa: {  	[smem:$0x3FA8] =	sst s2  }
0xb: {  	[smem:$0x3FA9] =	sst s3  }
0xc: {  	[smem:$0x3FAA] =	sst s4  }
0xd: {  	[smem:$0x3FAB] =	sst s5  }
0xe: {  	[smem:$0x3FAC] =	sst s6  }
0xf: {  	[smem:$0x3FAD] =	sst s7  }
0x10: {  	[smem:$0x3FAE] =	sst s8  }
0x11: {  	[smem:$0x3FAF] =	sst s9;
	s0 =	simm.s32 @!p0 $0x0  }
0x12: {  	s1 =	sld [smem:$0x3F95];
	s0 =	simm.s32 @p0 $0x1  }
0x13: {  	[smem:$0x3FB0] =	sst s0;
	s0 =	simm.s32 @!p1 $0x0  }
0x14: {  	s2 =	sld [smem:$0x3F94];
	s0 =	simm.s32 @p1 $0x1  }
0x15: {  	[smem:$0x3FB1] =	sst s0;
	s0 =	simm.s32 @!p2 $0x0  }
0x16: {  	s3 =	sld [smem:$0x3FDB];
	s0 =	simm.s32 @p2 $0x1  }
0x17: {  	s4 =	simm.s32 $0x1BF5;
	[smem:$0x3FB3] =	sst s0  }
0x18: {  	s0 =	sld [smem:$0x3F96];
	_ =	swait.ge [sflag:s4], $0x0  }
0x19: {  	s7 =	sld [smem:$0x3F97]  }
0x1a: {  	s8 =	sadd.s32 $0xFFFFE003, lr  }
0x1b: {  	s9 =	sadd.s32 $0xFFFFFEF7, lr;
	s5 =	simm.s32 $0xFFFFFFFF;
	p2 =	slt.u32 s8, $0xFFFFF086  }
0x1c: {  	p1 =	slt.u32 s9, $0xF7A;
	s5 =	simm.s32 @!p2 $0x0  }
0x1d: {  	s5 =	simm.s32 @p1 $0x1;
	p0 =	seq.s32 s7, s2  }
0x1e: {  	s7 =	smul.u32 @!p0 $0xF7A, s2;
	p2 =	seq.s32 @!p0 s5, $0x0  }
0x1f: {  	s9 =	smul.u32 $0xF7A, s1;
	s8 =	simm.s32 @!p0 $0x1BF5;
	p2 =	por !p2, p0  }
0x20: {  	[sflag:s8] =	ssyncset.s32 @!p0 $0xFFFFF086;
	s6 =	sadd.s32 @!p0 s3, s7;
	s7 =	simm.s32 @!p0 $0x108  }
0x21: {  	s3 =	sadd.s32 s3, s9;
	s6 =	sadd.s32 @!p0 $0x88, s6;
	s7 =	simm.s32 @p2 $0x1082  }
0x22: {  	[simem:s7], [sflag:s8] =	dma.local @!p0 [hbm:s6], $0xF7A  }
0x23: {  	s9 =	sor.u32 $0xD0000000, s2;
	s6 =	simm.s32 $0x108;
	_ =	swait.ge @!p0 [sflag:s8], $0x0  }
0x24: {  	s3 =	sadd.s32 $0x88, s3;
	s6 =	simm.s32 @!p1 $0x1082;
	[sflag:s4] =	ssyncset.s32 $0xFFFFF086  }
0x25: {  	[simem:s6], [sflag:s4] =	dma.local [hbm:s3], $0xF7A  }
0x26: {  	[smem:$0x3F97] =	sst s1;
	(tag) =	ssettag s2;
	_ =	strace s9  }
0x27: {  	s1 =	sld [smem:$0x3FA7]  }
0x28: {  	s2 =	sld [smem:$0x3FA8]  }
0x29: {  	s4 =	sld [smem:$0x3FAA]  }
0x2a: {  	p0 =	seq.s32 s5, $0x0;
	s5 =	sld [smem:$0x3FAB]  }
0x2b: {  	s6 =	sld [smem:$0x3FAC]  }
0x2c: {  	s7 =	sld [smem:$0x3FAD]  }
0x2d: {  	s3 =	simm.s32 $0x108;
	s8 =	sld [smem:$0x3FAE]  }
0x2e: {  	s3 =	simm.s32 @!p0 $0x1082;
	s9 =	sld [smem:$0x3FAF]  }
0x2f: {  	lr =	sadd.s32 s0, s3;
	s0 =	sld [smem:$0x3FA6]  }
0x30: {  	s3 =	sld [smem:$0x3FA9]  }
0x31: {  	[smem:$0x3FB2] =	sst s10  }
0x32: {  	s10 =	sld [smem:$0x3FB0];
	_ =	sdelay $0x3  }
0x33: {  	p0 =	seq.s32 s10, $0x1;
	s10 =	sld [smem:$0x3FB2];
	_ =	sdelay $0x3  }
0x34: {  	[smem:$0x3FB2] =	sst s10  }
0x35: {  	s10 =	sld [smem:$0x3FB1];
	_ =	sdelay $0x3  }
0x36: {  	p1 =	seq.s32 s10, $0x1;
	s10 =	sld [smem:$0x3FB2];
	_ =	sdelay $0x3  }
0x37: {  	[smem:$0x3FB2] =	sst s10  }
0x38: {  	s10 =	sld [smem:$0x3FB3]  }
0x39: {  	_ = 	snop;
	(pc) =	sbr.ind lr, $3  }
0x3a: {  	_ = 	snop  }
0x3b: {  	_ = 	snop  }
0x3c: {  	p2 =	seq.s32 s10, $0x1;
	s10 =	sld [smem:$0x3FB2]  }
0x3d: {  	_ =	shalt  }
0x3e: {  	_ =	shalt  }
0x3f: {  	_ =	shalt  }
0x40: {  	_ =	shalt  }
0x41: {  	_ =	shalt  }
0x42: {  	_ =	shalt  }
0x43: {  	_ =	shalt  }
0x44: {  	_ =	shalt  }
0x45: {  	_ =	shalt  }
0x46: {  	_ =	shalt  }
0x47: {  	_ =	shalt  }
0x48: {  	_ =	shalt  }
0x49: {  	_ =	shalt  }
0x4a: {  	_ =	shalt  }
0x4b: {  	_ =	shalt  }
0x4c: {  	_ =	shalt  }
0x4d: {  	_ =	shalt  }
0x4e: {  	_ =	shalt  }
0x4f: {  	_ =	shalt  }
0x50: {  	_ =	shalt  }
0x51: {  	_ =	shalt  }
0x52: {  	_ =	shalt  }
0x53: {  	_ =	shalt  }
0x54: {  	_ =	shalt  }
0x55: {  	_ =	shalt  }
0x56: {  	_ =	shalt  }
0x57: {  	_ =	shalt  }
0x58: {  	_ =	shalt  }
0x59: {  	_ =	shalt  }
0x5a: {  	_ =	shalt  }
0x5b: {  	_ =	shalt  }
0x5c: {  	_ =	shalt  }
0x5d: {  	_ =	shalt  }
0x5e: {  	_ =	shalt  }
0x5f: {  	_ =	shalt  }
0x60: {  	_ =	shalt  }
0x61: {  	_ =	shalt  }
0x62: {  	_ =	shalt  }
0x63: {  	_ =	shalt  }
0x64: {  	_ =	shalt  }
0x65: {  	_ =	shalt  }
0x66: {  	_ =	shalt  }
0x67: {  	_ =	shalt  }
0x68: {  	_ =	shalt  }
0x69: {  	_ =	shalt  }
0x6a: {  	_ =	shalt  }
0x6b: {  	_ =	shalt  }
0x6c: {  	_ =	shalt  }
0x6d: {  	_ =	shalt  }
0x6e: {  	_ =	shalt  }
0x6f: {  	_ =	shalt  }
0x70: {  	_ =	shalt  }
0x71: {  	_ =	shalt  }
0x72: {  	_ =	shalt  }
0x73: {  	_ =	shalt  }
0x74: {  	_ =	shalt  }
0x75: {  	_ =	shalt  }
0x76: {  	_ =	shalt  }
0x77: {  	_ =	shalt  }
0x78: {  	_ =	shalt  }
0x79: {  	_ =	shalt  }
0x7a: {  	_ =	shalt  }
0x7b: {  	_ =	shalt  }
0x7c: {  	_ =	shalt  }
0x7d: {  	_ =	shalt  }
0x7e: {  	_ =	shalt  }
0x7f: {  	_ =	shalt  }
0x80: {  	_ =	shalt  }
0x81: {  	_ =	shalt  }
0x82: {  	_ =	shalt  }
0x83: {  	_ =	shalt  }
0x84: {  	_ =	shalt  }
0x85: {  	_ =	shalt  }
0x86: {  	_ =	shalt  }
0x87: {  	_ =	shalt  }
.Lfunc_end0:
.L_simem_size_0:
called_computation.1_lowered:
.L_overlay_start_0:
0x88: {  	s2 =	sld [smem:$0x3FD9]  }
0x89: {  	s3 =	sld [smem:$0x3FFE];
	_ =	sdelay $0x1  }
0x8a: {  	s1 =	srdreg.scid  }
0x8b: {  	s0 =	sand.u32 $0x1, s1  }
0x8c: {  	s17 =	sshll.u32 s0, $0xA;
	s2 =	sadd.s32 s3, s2  }
0x8d: {  	s2 =	sadd.s32 s2, s17  }
0x8e: {  	[smem:$0x3FBE] =	sst s2  }
0x8f: {  	_ = 	snop  }
0x90: {  	s2 =	sld [smem:$0x3FD0];
	(tm) =	ssettm $0x1  }
0x91: {  	s18 =	sld [smem:$0x3FFB];
	_ =	sdelay $0x3  }
0x92: {  	_ =	strace s18  }
0x93: {  	s3 =	sld [smem:$0x3FFC];
	_ =	sdelay $0x3  }
0x94: {  	_ =	strace s3  }
0x95: {  	s3 =	sld [smem:$0x3FFD];
	_ =	sdelay $0x3  }
0x96: {  	_ =	strace s3  }
0x97: {  	_ =	strace $0x8FFFFFFF  }
0x98: {  	s19 =	sld [smem:$0x3FDB];
	_ =	sdelay $0x1  }
0x99: {  	s4 =	simm.s32 $_scs_section_size  }
0x9a: {  	s5 =	simm.s32 $_size__tile_overlayer_lowered;
	s6 =	simm.s32 $_tile_overlayer_lowered  }
0x9b: {  	s22 =	simm.s32 $0x1BFF;
	s21 =	sshll.u32 s6, $0x1;
	s3 =	sadd.s32 s4, s19  }
0x9c: {  	s7 =	simm.s32 $0x0;
	s20 =	sshll.u32 s5, $0x1;
	s5 =	sadd.s32 s21, s3  }
0x9d: {  	[timem:s7], [sflag:s22] =	dma.local [hbm:s5], s20  }
0x9e: {  	_ =	swait.ge [sflag:s22], s20  }
0x9f: {  	s4 =	ssub.s32 $0x0, s20;
	[sflag:s22] =	ssyncset.done $0x0  }
0xa0: {  	[sflag:s22] =	ssyncadd.s32 s4;
	_ =	sdelay $0x1  }
0xa1: {  	s23 =	simm.s32 $0x1B8B  }
0xa2: {  	_ =	swait.ge [sflag:s23], $0x1  }
0xa3: {  	[sflag:s23] =	ssyncset.done $0x0  }
0xa4: {  	s25 =	simm.s32 $0x1B8E;
	s24 =	sld [smem:$0x3FFE];
	[sflag:s23] =	ssyncadd.s32 $0xFFFFFFFF  }
0xa5: {  	s26 =	simm.s32 $execute0_lowered;
	[smem:$0x3FD2] =	sst s25  }
0xa6: {  	s5 =	sshll.u32 s26, $0x1;
	_ =	strace $0x80000049;
	[dreg:$0x1] =	wrdreg $0xFFFFFFFF  }
0xa7: {  	s28 =	simm.s32 $_size_execute0_lowered;
	s3 =	sadd.s32 s3, s5;
	[dreg:$0x0] =	wrdreg $0x0  }
0xa8: {  	s5 =	sshll.u32 s28, $0x1;
	[dreg:$0x2] =	wrdreg s3  }
0xa9: {  	[dreg:$0x3] =	wrdreg s5  }
0xaa: {  	[dreg:$0x4] =	wrdreg $0xC0  }
0xab: {  	_ =	task [dreg:s7], $0x5FFFF  }
0xac: {  	[dreg:$0x1] =	wrdreg $0xFFFFFFFF  }
0xad: {  	[dreg:$0x0] =	wrdreg $0x60  }
0xae: {  	[dreg:$0x2] =	wrdreg s24  }
0xaf: {  	[dreg:$0x3] =	wrdreg s2  }
0xb0: {  	[dreg:$0x4] =	wrdreg $0x76000  }
0xb1: {  	[dreg:$0x5] =	wrdreg $0x9  }
0xb2: {  	_ =	task.clear_ibuf [dreg:s7], $0x6FFFF;
	_ =	strace $0x90000049  }
0xb3: {  	s29 =	simm.s32 $0x9;
	_ =	strace $0x8000004B  }
0xb4: {  	_ =	swait.ge [sflag:s29], $0x1  }
0xb5: {  	[sflag:s29] =	ssyncadd.s32 $0xFFFFFFFF  }
0xb6: {  	_ =	strace $0x9000004B  }
0xb7: {  	_ =	sfence  }
0xb8: {  	s30 =	sld [smem:$0x0];
	_ =	sdelay $0x2  }
0xb9: {  	s31 =	sshll.u32 s1, $0xD;
	s1 =	sshrl.u32 s1, $0x2  }
0xba: {  	s3 =	sand.u32 $0x4000, s31;
	s1 =	sadd.s32 s1, s30  }
0xbb: {  	s0 =	sor.u32 s3, s0;
	s1 =	sshll.u32 s1, $0x11  }
0xbc: {  	s0 =	sor.u32 s1, s0  }
0xbd: {  	s0 =	sadd.s32 $0x8F2B, s0  }
0xbe: {  	[sflag:s0] =	ssyncadd.remote.s32 $0x1  }
0xbf: {  	_ =	sfence.sel $0xFFFF  }
0xc0: {  	[dreg:$0x0] =	wrdreg $0xFFFFFFFF;
	(pc) =	sbr.abs _section_cstart, $3  }
0xc1: {  	[dreg:$0x1] =	wrdreg $0xFFFFFFFF  }
0xc2: {  	_ =	task.clear_ibuf [dreg:s7], $0x2FFFF;
	_ =	strace $0x9FFFFFFF  }
0xc3: {  	(tm) =	ssettm $0x7FFFFFFF  }
tec
execute0_lowered:
.L_overlay_start_1:
0x0: {  	(tag) =	ssettag $0x1  }
0x1: {  	s0 =	rddreg [dreg:$0x0]  }
0x2: {  	s1 =	rddreg [dreg:$0x1]  }
0x3: {  	s2 =	rddreg [dreg:$0x2]  }
0x4: {  	s3 =	simm.s32 $0x0;
	s13 =	stileid.u32;
	s4 =	srdreg.scid  }
0x5: {  	s12 =	simm.s32 $0x6220;
	s29 =	simm.s32 $0x5A00;
	s30 =	simm.s32 $0x7  }
0x6: {  	s31 =	simm.s32 $0x5;
	[smem:$0x7FF] =	sst s3;
	s5 =	smul.u32 $0x138, s13  }
0x7: {  	s6 =	sand.u32 $0x1, s4;
	s19 =	smin.u32 s13, $0x8;
	s11 =	smul.u32 $0x62000, s13  }
0x8: {  	s4 =	sadd.s32 $0x1C00, s0;
	s10 =	sadd.s32 $0x32C00, s0;
	s24 =	smul.u32 $0x30C00, s13  }
0x9: {  	p1 =	slt.u32 s13, $0x8;
	_ =	strace $0x8000004A;
	s7 =	smul.u32 $0x31000, s6  }
0xa: {  	s9 =	ssub.s32 $0x2, s6;
	[dreg:$0x7] =	wrdreg s10;
	p0 =	seq.s32 s6, $0x1  }
0xb: {  	s12 =	simm.s32 @!p1 $0x6180;
	s8 =	sadd.s32 s19, s5;
	s5 =	sadd.s32 $0x311C00, s0  }
0xc: {  	s18 =	sshrl.u32 s9, $0x1;
	s21 =	sshrl.u32 s11, $0x2;
	[dreg:$0x6] =	wrdreg s12  }
0xd: {  	s8 =	smul.u32 $0x280, s8;
	s0 =	sadd.s32 s7, s0;
	s20 =	ssub.s32 s9, s18  }
0xe: {  	s7 =	simm.s32 $0x139;
	s11 =	sadd.s32 s21, s2;
	s21 =	smul.u32 $0x6180, s13  }
0xf: {  	s7 =	simm.s32 @!p1 $0x138;
	s22 =	smax.u32 s20, $0x1;
	s6 =	sadd.s32 $0x1C00, s11  }
0x10: {  	s23 =	sadd.s32 $0x3800, s11;
	s14 =	sadd.s32 $0x5400, s11;
	s15 =	sadd.s32 $0x7000, s11  }
0x11: {  	s20 =	smul.u32 $0x280, s19;
	s16 =	sadd.s32 $0x8C00, s11;
	[dreg:$0xa] =	wrdreg s22  }
0x12: {  	s17 =	sadd.s32 $0xA800, s11;
	s18 =	sadd.s32 $0xC400, s11;
	[dreg:$0xb] =	wrdreg s6  }
0x13: {  	s28 =	sadd.s32 $0x16C00, s11;
	s8 =	sshrl.u32 s8, $0x3;
	[dreg:$0xc] =	wrdreg s23  }
0x14: {  	s22 =	smul.u32 $0x50, s19;
	s19 =	sadd.s32 $0xE000, s11;
	s25 =	sadd.s32 s21, s1  }
0x15: {  	s23 =	smov.u32 s4;
	s8 =	sadd.s32 s1, s8;
	s6 =	sadd.s32 s20, s24  }
0x16: {  	s24 =	smul.u32 $0x3100, s13;
	s23 =	smov.u32 @p0 s5;
	[dreg:$0x8] =	wrdreg s8  }
0x17: {  	s8 =	sadd.s32 $0x61A80, s8;
	s26 =	sadd.s32 $0x30D680, s6;
	s20 =	sadd.s32 s22, s25  }
0x18: {  	s6 =	sadd.s32 $0x30D900, s6;
	s22 =	sadd.s32 $0x11800, s11;
	[dreg:$0x9] =	wrdreg s8  }
0x19: {  	s21 =	sshrl.u32 s26, $0x3;
	s6 =	sshrl.u32 s6, $0x3;
	s0 =	sadd.s32 s24, s0  }
0x1a: {  	s24 =	sadd.s32 $0x13400, s11;
	s26 =	sadd.s32 $0x15000, s11;
	s21 =	sadd.s32 s21, s1  }
0x1b: {  	s1 =	sadd.s32 s6, s1;
	s25 =	sadd.s32 $0x33000, s0;
	[dreg:$0x4] =	wrdreg s21  }
0x1c: {  	s0 =	simm.s32 $0x0;
	s21 =	sadd.s32 $0xFC00, s11;
	[dreg:$0x5] =	wrdreg s1  }
.LBB2_1:
0x1d: {  	s1 =	rddreg [dreg:$0x7]  }
0x1e: {  	[tilespmem:s29], [sflag:$0x7] =	stream.linear.gather [hbm4b:s1+s3], $0x1C00, $0x38;
	[tilespmem:$0x1FE00] =	vst v63  }
0x1f: {  	_ =	swait.ge [sflag:s30], $0x1C00  }
0x20: {  	[sflag:s30] =	ssyncset.done $0x0  }
0x21: {  	[sflag:s30] =	ssyncadd.s32 $0xFFFFE400  }
0x22: {  	[spmem:s11] =	stream.linear.scatter [tilespmem:s29], [sflag:$0x7], $0x1C00, $0x38;
	[tilespmem:$0x1FE00] =	vst v63  }
0x23: {  	_ =	swait.ge [sflag:s30], $0x1C00  }
0x24: {  	[sflag:s30] =	ssyncset.done $0x0  }
0x25: {  	s8 =	rddreg [dreg:$0xb];
	[sflag:s30] =	ssyncadd.s32 $0xFFFFE400  }
0x26: {  	[spmem:s8] =	stream.linear.scatter [tilespmem:s29], [sflag:$0x7], $0x1C00, $0x38;
	[tilespmem:$0x1FE00] =	vst v63  }
0x27: {  	_ =	swait.ge [sflag:s30], $0x1C00  }
0x28: {  	[sflag:s30] =	ssyncset.done $0x0  }
0x29: {  	s9 =	rddreg [dreg:$0xc];
	[sflag:s30] =	ssyncadd.s32 $0xFFFFE400  }
0x2a: {  	[spmem:s9] =	stream.linear.scatter [tilespmem:s29], [sflag:$0x7], $0x1C00, $0x38;
	[tilespmem:$0x1FE00] =	vst v63  }
0x2b: {  	_ =	swait.ge [sflag:s30], $0x1C00  }
0x2c: {  	[sflag:s30] =	ssyncset.done $0x0  }
0x2d: {  	[sflag:s30] =	ssyncadd.s32 $0xFFFFE400  }
0x2e: {  	[spmem:s14] =	stream.linear.scatter [tilespmem:s29], [sflag:$0x7], $0x1C00, $0x38;
	[tilespmem:$0x1FE00] =	vst v63  }
0x2f: {  	_ =	swait.ge [sflag:s30], $0x1C00  }
0x30: {  	[sflag:s30] =	ssyncset.done $0x0  }
0x31: {  	[sflag:s30] =	ssyncadd.s32 $0xFFFFE400  }
0x32: {  	[spmem:s15] =	stream.linear.scatter [tilespmem:s29], [sflag:$0x7], $0x1C00, $0x38;
	[tilespmem:$0x1FE00] =	vst v63  }
0x33: {  	_ =	swait.ge [sflag:s30], $0x1C00  }
0x34: {  	[sflag:s30] =	ssyncset.done $0x0  }
0x35: {  	[sflag:s30] =	ssyncadd.s32 $0xFFFFE400  }
0x36: {  	[spmem:s16] =	stream.linear.scatter [tilespmem:s29], [sflag:$0x7], $0x1C00, $0x38;
	[tilespmem:$0x1FE00] =	vst v63  }
0x37: {  	_ =	swait.ge [sflag:s30], $0x1C00  }
0x38: {  	[sflag:s30] =	ssyncset.done $0x0  }
0x39: {  	[sflag:s30] =	ssyncadd.s32 $0xFFFFE400  }
0x3a: {  	[spmem:s17] =	stream.linear.scatter [tilespmem:s29], [sflag:$0x7], $0x1C00, $0x38;
	[tilespmem:$0x1FE00] =	vst v63  }
0x3b: {  	_ =	swait.ge [sflag:s30], $0x1C00  }
0x3c: {  	[sflag:s30] =	ssyncset.done $0x0  }
0x3d: {  	[sflag:s30] =	ssyncadd.s32 $0xFFFFE400  }
0x3e: {  	[spmem:s18] =	stream.linear.scatter [tilespmem:s29], [sflag:$0x7], $0x1C00, $0x38;
	[tilespmem:$0x1FE00] =	vst v63  }
0x3f: {  	_ =	swait.ge [sflag:s30], $0x1C00  }
0x40: {  	[sflag:s30] =	ssyncset.done $0x0  }
0x41: {  	[sflag:s30] =	ssyncadd.s32 $0xFFFFE400  }
0x42: {  	[spmem:s19] =	stream.linear.scatter [tilespmem:s29], [sflag:$0x7], $0x1C00, $0x38;
	[tilespmem:$0x1FE00] =	vst v63  }
0x43: {  	_ =	swait.ge [sflag:s30], $0x1C00  }
0x44: {  	[sflag:s30] =	ssyncset.done $0x0  }
0x45: {  	[sflag:s30] =	ssyncadd.s32 $0xFFFFE400  }
0x46: {  	[spmem:s21] =	stream.linear.scatter [tilespmem:s29], [sflag:$0x7], $0x1C00, $0x38;
	[tilespmem:$0x1FE00] =	vst v63  }
0x47: {  	_ =	swait.ge [sflag:s30], $0x1C00  }
0x48: {  	[sflag:s30] =	ssyncset.done $0x0  }
0x49: {  	[sflag:s30] =	ssyncadd.s32 $0xFFFFE400  }
0x4a: {  	[spmem:s22] =	stream.linear.scatter [tilespmem:s29], [sflag:$0x7], $0x1C00, $0x38;
	[tilespmem:$0x1FE00] =	vst v63  }
0x4b: {  	_ =	swait.ge [sflag:s30], $0x1C00  }
0x4c: {  	[sflag:s30] =	ssyncset.done $0x0  }
0x4d: {  	[sflag:s30] =	ssyncadd.s32 $0xFFFFE400  }
0x4e: {  	[spmem:s24] =	stream.linear.scatter [tilespmem:s29], [sflag:$0x7], $0x1C00, $0x38;
	[tilespmem:$0x1FE00] =	vst v63  }
0x4f: {  	_ =	swait.ge [sflag:s30], $0x1C00  }
0x50: {  	[sflag:s30] =	ssyncset.done $0x0  }
0x51: {  	[sflag:s30] =	ssyncadd.s32 $0xFFFFE400  }
0x52: {  	[spmem:s26] =	stream.linear.scatter [tilespmem:s29], [sflag:$0x7], $0x1C00, $0x38;
	[tilespmem:$0x1FE00] =	vst v63  }
0x53: {  	_ =	swait.ge [sflag:s30], $0x1C00  }
0x54: {  	[sflag:s30] =	ssyncset.done $0x0  }
0x55: {  	[sflag:s30] =	ssyncadd.s32 $0xFFFFE400  }
0x56: {  	[spmem:s28] =	stream.linear.scatter [tilespmem:s29], [sflag:$0x7], $0x1C00, $0x38;
	[tilespmem:$0x1FE00] =	vst v63  }
0x57: {  	_ =	swait.ge [sflag:s30], $0x1C00  }
0x58: {  	[sflag:s30] =	ssyncset.done $0x0  }
0x59: {  	[sflag:s30] =	ssyncadd.s32 $0xFFFFE400  }
0x5a: {  	[bflag:$0x0] =	sbarrier.arrive $0xFFFF  }
0x5b: {  	s10 =	rddreg [dreg:$0x8]  }
0x5c: {  	[tilespmem:s3], [sflag:$0x1] =	stream.linear.gather [hbm4b:s10+s3], $0x280, $0x38;
	[tilespmem:$0x1FE00] =	vst v63  }
0x5d: {  	s6 =	simm.s32 $0x500;
	s1 =	simm.s32 $0x1;
	s12 =	rddreg [dreg:$0x9]  }
0x5e: {  	[tilespmem:s6], [sflag:$0x1] =	stream.linear.gather [hbm4b:s12+s3], $0x280, $0x38;
	[tilespmem:$0x1FE00] =	vst v63  }
0x5f: {  	_ =	swait.ge [sflag:s1], $0x280  }
0x60: {  	[sflag:s1] =	ssyncset.done $0x0  }
0x61: {  	[sflag:s1] =	ssyncadd.s32 $0xFFFFFD80  }
0x62: {  	_ =	swait.ge [sflag:s1], $0x280  }
0x63: {  	s13 =	simm.s32 $0x280;
	[sflag:s1] =	ssyncset.done $0x0  }
0x64: {  	s8 =	simm.s32 $0xA00;
	s6 =	simm.s32 $0x0;
	[sflag:s1] =	ssyncadd.s32 $0xFFFFFD80  }
0x65: {  	[tilespmem:s8], [sflag:$0x3] =	stream.indirect.gather [hbm4b:s23+s13], $0x10, s3, s13, $0xb8;
	[tilespmem:$0x1FE00] =	vst v63  }
.LBB2_2:
0x66: {  	p1 =	sge.u32 s1, s7  }
0x67: {  	s9 =	simm.s32 @p1 $0x3  }
0x68: {  	_ =	swait.ge @p1 [sflag:s9], $0x2800  }
0x69: {  	s8 =	simm.s32 @p1 $0x500;
	[sflag:s9] =	ssyncset.done @p1 $0x0  }
0x6a: {  	s10 =	simm.s32 @p1 $0xA00;
	[sflag:s9] =	ssyncadd.s32 @p1 $0xFFFFD800;
	s9 =	simm.s32 @p1 $0x280  }
0x6b: {  	[spmem:s2] =	stream.indirect.scatter.add.f32 @p1 [tilespmem:s10], [sflag:$0x5], $0x10, s8, s9, $0xb8;
	[tilespmem:$0x1FE00] =	vst v63  }
0x6c: {  	s12 =	simm.s32 @!p1 $0x280;
	s8 =	sadd.s32 @!p1 s6, s20  }
0x6d: {  	s9 =	rddreg [dreg:$0x4];
	s10 =	simm.s32 @!p1 $0x0;
	s8 =	sadd.s32 @!p1 $0x50, s8  }
0x6e: {  	[tilespmem:s12], [sflag:$0x2] =	stream.linear.gather @!p1 [hbm4b:s8+s10], $0x280, $0x38;
	[tilespmem:$0x1FE00] =	vst v63  }
0x6f: {  	s8 =	sadd.s32 @!p1 s6, s9;
	s9 =	simm.s32 @!p1 $0x780  }
0x70: {  	[tilespmem:s9], [sflag:$0x2] =	stream.linear.gather @!p1 [hbm4b:s8+s10], $0x280, $0x38;
	[tilespmem:$0x1FE00] =	vst v63  }
0x71: {  	s8 =	simm.s32 @!p1 $0x3  }
0x72: {  	_ =	swait.ge @!p1 [sflag:s8], $0x2800  }
0x73: {  	[sflag:s8] =	ssyncset.done @!p1 $0x0  }
0x74: {  	s10 =	simm.s32 @!p1 $0xA00;
	[sflag:s8] =	ssyncadd.s32 @!p1 $0xFFFFD800;
	s8 =	simm.s32 @!p1 $0x500  }
0x75: {  	[spmem:s2] =	stream.indirect.scatter.add.f32 @!p1 [tilespmem:s10], [sflag:$0x5], $0x10, s8, s12, $0xb8;
	[tilespmem:$0x1FE00] =	vst v63  }
0x76: {  	s8 =	simm.s32 @!p1 $0x2  }
0x77: {  	_ =	swait.ge @!p1 [sflag:s8], $0x280  }
0x78: {  	[sflag:s8] =	ssyncset.done @!p1 $0x0  }
0x79: {  	[sflag:s8] =	ssyncadd.s32 @!p1 $0xFFFFFD80  }
0x7a: {  	_ =	swait.ge @!p1 [sflag:s8], $0x280  }
0x7b: {  	p2 =	por !p0, p1;
	[sflag:s8] =	ssyncset.done @!p1 $0x0  }
0x7c: {  	s10 =	simm.s32 @!p2 $0x3200;
	[sflag:s8] =	ssyncadd.s32 @!p1 $0xFFFFFD80;
	s8 =	simm.s32 @!p2 $0x280  }
0x7d: {  	[tilespmem:s10], [sflag:$0x4] =	stream.indirect.gather @!p2 [hbm4b:s5+s8], $0x10, s8, s8, $0xb8;
	[tilespmem:$0x1FE00] =	vst v63  }
0x7e: {  	p2 =	por p0, p1  }
0x7f: {  	s8 =	sadd.s32 $0x1, s1;
	s10 =	simm.s32 @!p2 $0x280;
	s13 =	simm.s32 @!p2 $0x3200  }
0x80: {  	[tilespmem:s13], [sflag:$0x4] =	stream.indirect.gather @!p2 [hbm4b:s4+s10], $0x10, s10, s10, $0xb8;
	[tilespmem:$0x1FE00] =	vst v63  }
0x81: {  	p2 =	sge.u32 s8, s7  }
0x82: {  	s8 =	sadd.s32 @!p2 s6, s20  }
0x83: {  	s10 =	rddreg [dreg:$0x5];
	s13 =	simm.s32 @!p2 $0x0;
	s8 =	sadd.s32 @!p2 $0xA0, s8  }
0x84: {  	[tilespmem:s13], [sflag:$0x1] =	stream.linear.gather @!p2 [hbm4b:s8+s13], $0x280, $0x38;
	[tilespmem:$0x1FE00] =	vst v63  }
0x85: {  	s8 =	sadd.s32 @!p2 s6, s10;
	s10 =	simm.s32 @!p2 $0x500  }
0x86: {  	[tilespmem:s10], [sflag:$0x1] =	stream.linear.gather @!p2 [hbm4b:s8+s13], $0x280, $0x38;
	[tilespmem:$0x1FE00] =	vst v63  }
0x87: {  	_ =	swait.ge [sflag:s31], $0x2800  }
0x88: {  	[sflag:s31] =	ssyncset.done $0x0  }
0x89: {  	s8 =	simm.s32 @!p1 $0x4;
	[sflag:s31] =	ssyncadd.s32 $0xFFFFD800  }
0x8a: {  	_ =	swait.ge @!p1 [sflag:s8], $0x2800  }
0x8b: {  	[sflag:s8] =	ssyncset.done @!p1 $0x0  }
0x8c: {  	[sflag:s8] =	ssyncadd.s32 @!p1 $0xFFFFD800;
	s8 =	simm.s32 @!p1 $0x3200  }
0x8d: {  	[spmem:s2] =	stream.indirect.scatter.add.f32 @!p1 [tilespmem:s8], [sflag:$0x6], $0x10, s9, s12, $0xb8;
	[tilespmem:$0x1FE00] =	vst v63  }
0x8e: {  	s8 =	simm.s32 @!p2 $0x1  }
0x8f: {  	_ =	swait.ge @!p2 [sflag:s8], $0x280  }
0x90: {  	[sflag:s8] =	ssyncset.done @!p2 $0x0  }
0x91: {  	[sflag:s8] =	ssyncadd.s32 @!p2 $0xFFFFFD80  }
0x92: {  	_ =	swait.ge @!p2 [sflag:s8], $0x280  }
0x93: {  	[sflag:s8] =	ssyncset.done @!p2 $0x0  }
0x94: {  	s9 =	simm.s32 @!p2 $0xA00;
	[sflag:s8] =	ssyncadd.s32 @!p2 $0xFFFFFD80;
	s8 =	simm.s32 @!p2 $0x280  }
0x95: {  	[tilespmem:s9], [sflag:$0x3] =	stream.indirect.gather @!p2 [hbm4b:s23+s8], $0x10, s13, s8, $0xb8;
	[tilespmem:$0x1FE00] =	vst v63  }
0x96: {  	s8 =	simm.s32 @!p1 $0x6  }
0x97: {  	_ =	swait.ge @!p1 [sflag:s8], $0x2800  }
0x98: {  	s6 =	sadd.s32 $0xA0, s6;
	s13 =	rddreg [dreg:$0x6]  }
0x99: {  	p2 =	sne.s32 s13, s6  }
.Ltmp0:
0x9a: {  	_ = 	snop;
	(pc) =	sbr.rel @p2 .LBB2_2-.Ltmp0, $3  }
0x9b: {  	_ =	sdelay $0x1  }
0x9c: {  	[sflag:s8] =	ssyncset.done @!p1 $0x0  }
0x9d: {  	s1 =	sadd.s32 $0x2, s1;
	[sflag:s8] =	ssyncadd.s32 @!p1 $0xFFFFD800  }
0x9e: {  	[bflag:$0x0] =	sbarrier.arrive $0xFFFF  }
0x9f: {  	[tilespmem:s29], [sflag:$0x7] =	stream.linear.gather [spmem:s11], $0x1C00, $0x38;
	[tilespmem:$0x1FE00] =	vst v63  }
0xa0: {  	_ =	swait.ge [sflag:s30], $0x1C00  }
0xa1: {  	[sflag:s30] =	ssyncset.done $0x0  }
0xa2: {  	s1 =	sadd.s32 $0x0, s25;
	[sflag:s30] =	ssyncadd.s32 $0xFFFFE400  }
0xa3: {  	[hbm4b:s1+s3] =	stream.linear.scatter [tilespmem:s29], [sflag:$0x7], $0x1C00, $0x38;
	[tilespmem:$0x1FE00] =	vst v63  }
0xa4: {  	_ =	swait.ge [sflag:s30], $0x1C00  }
0xa5: {  	s6 =	smov.u32 s11;
	s1 =	simm.s32 $0x380;
	[sflag:s30] =	ssyncset.done $0x0  }
.LBB2_4:
0xa6: {  	p1 =	sne.s32 s1, $0x2D80;
	[sflag:s30] =	ssyncadd.s32 $0xFFFFE400;
	s6 =	sadd.s32 $0x1C00, s6  }
0xa7: {  	[tilespmem:s29], [sflag:$0x7] =	stream.linear.gather [spmem:s6], $0x1C00, $0x38;
	[tilespmem:$0x1FE00] =	vst v63  }
0xa8: {  	s8 =	smov.u32 s1;
	s1 =	sadd.s32 $0x380, s1;
	_ =	swait.ge [sflag:s30], $0x1C00  }
.Ltmp1:
0xa9: {  	[sflag:s30] =	ssyncset.done $0x0;
	(pc) =	sbr.rel @p1 .LBB2_4-.Ltmp1, $4  }
0xaa: {  	s8 =	sadd.s32 s8, s25;
	[sflag:s30] =	ssyncadd.s32 $0xFFFFE400  }
0xab: {  	[hbm4b:s8+s3] =	stream.linear.scatter [tilespmem:s29], [sflag:$0x7], $0x1C00, $0x38;
	[tilespmem:$0x1FE00] =	vst v63  }
0xac: {  	_ =	swait.ge [sflag:s30], $0x1C00  }
0xad: {  	[sflag:s30] =	ssyncset.done $0x0  }
0xae: {  	s0 =	sadd.s32 $0x1, s0;
	s1 =	rddreg [dreg:$0xa]  }
0xaf: {  	p1 =	sne.s32 s0, s1  }
.Ltmp2:
0xb0: {  	_ = 	snop;
	(pc) =	sbr.rel @p1 .LBB2_1-.Ltmp2, $2  }
0xb1: {  	_ =	sdelay $0x2  }
0xb2: {  	[sflag:s30] =	ssyncadd.s32 $0xFFFFE400  }
0xb3: {  	_ =	sfence.sel $0x180000  }
0xb4: {  	[bflag:$0x0] =	sbarrier.arrive $0xFFFF  }
0xb5: {  	_ =	strace $0x9000004A  }
0xb6: {  	s0 =	stileid.u32;
	[bflag:$0x2] =	sbarrier.arrive $0xFFFF  }
0xb7: {  	p0 =	sne.s32 s0, $0x0;
	s0 =	rddreg [dreg:$0x3]  }
0xb8: {  	s0 =	sadd.s32 @!p0 $0x100000, s0  }
0xb9: {  	[sflag:s0] =	ssyncadd.tile.s32 @!p0 $0x1;
	_ =	shalt  }
.Lfunc_end2:
_tile_overlayer_lowered:
.L_overlay_start_2:
0xba: {  	(tag) =	ssettag $0x2  }
0xbb: {  	s0 =	rddreg [dreg:$0x0];
	s2 =	stileid.u32  }
0xbc: {  	s1 =	rddreg [dreg:$0x1];
	p0 =	sne.s32 s2, $0x0  }
0xbd: {  	s3 =	rddreg [dreg:$0x2];
	[bflag:$0x3] =	sbarrier.arrive $0xFFFF;
	s2 =	simm.s32 @!p0 $0x1C07  }
0xbe: {  	[timem:s3], [sflag:s2] =	dma.local @!p0 [hbm:s0], s1  }
0xbf: {  	s0 =	simm.s32 @!p0 $0x7  }
0xc0: {  	_ =	swait.ge @!p0 [sflag:s0], s1  }
0xc1: {  	s1 =	ssub.s32 @!p0 $0x0, s1;
	[sflag:s0] =	ssyncset.done @!p0 $0x0  }
0xc2: {  	[sflag:s0] =	ssyncadd.s32 @!p0 s1  }
0xc3: {  	[bflag:$0x3] =	sbarrier.arrive $0xFFFF  }
0xc4: {  	_ =	shalt  }

</sc_bundles>
